<compile_context>
chip_gen: v7x
topology: tpu7x:2x2x1
jax: 0.10.2.dev20260603
libtpu: 0.0.44.dev20260713+nightly
codegen_flags: <defaults>
</compile_context>

<pallas_src>
import functools

import jax
import jax.numpy as jnp
from jax import lax
from jax.experimental import pallas as pl
from jax.experimental.pallas import tpu as pltpu
from jax.experimental.pallas import tpu_sc as plsc

N = 10000
CIN = 128
C = 64
B = 64
B2 = 2 * B
E = 320000
EPS = 1e-5

M = 2 * N
RB = 1000
NBLK = M // RB

NSUB = 16
CW = 128
CHUNKS = 160
E_PAD = NSUB * CHUNKS * CW
ACC_ROWS = 10240
SUB_ROWS = ACC_ROWS // NSUB
OUT_ROWS = N // NSUB
DUMMY_ROW = N + 8

_HIGH = lax.Precision.HIGHEST

SCALE1 = 2.0 ** 23
SCALE2 = 2.0 ** 20


def _dot(a, b):
    return lax.dot_general(a, b, (((1,), (0,)), ((), ())),
                           precision=_HIGH, preferred_element_type=jnp.float32)


def _bdot(a, b):
    return lax.dot_general(a.astype(jnp.bfloat16), b.astype(jnp.bfloat16),
                           (((1,), (0,)), ((), ())),
                           preferred_element_type=jnp.float32)


def _sc_phase(y_hbm, out_hbm, src_v, dst_v, buf0, buf1, acc, sem0, sem1,
              z_hbm, c, s):
    pltpu.sync_copy(z_hbm, acc.at[pl.ds(s * SUB_ROWS, SUB_ROWS)])
    plsc.subcore_barrier()

    pltpu.async_copy(y_hbm.at[src_v.at[0]], buf0, sem0)

    @pl.loop(0, CHUNKS - 2, step=2)
    def _(j):
        pltpu.async_copy(y_hbm.at[src_v.at[j + 1]], buf1, sem1)
        pltpu.make_async_copy(y_hbm.at[src_v.at[j]], buf0, sem0).wait()
        pltpu.sync_copy(buf0, acc.at[dst_v.at[j]], add=True)
        pltpu.async_copy(y_hbm.at[src_v.at[j + 2]], buf0, sem0)
        pltpu.make_async_copy(y_hbm.at[src_v.at[j + 1]], buf1, sem1).wait()
        pltpu.sync_copy(buf1, acc.at[dst_v.at[j + 1]], add=True)

    pltpu.async_copy(y_hbm.at[src_v.at[CHUNKS - 1]], buf1, sem1)
    pltpu.make_async_copy(y_hbm.at[src_v.at[CHUNKS - 2]], buf0, sem0).wait()
    pltpu.sync_copy(buf0, acc.at[dst_v.at[CHUNKS - 2]], add=True)
    pltpu.make_async_copy(y_hbm.at[src_v.at[CHUNKS - 1]], buf1, sem1).wait()
    pltpu.sync_copy(buf1, acc.at[dst_v.at[CHUNKS - 1]], add=True)

    plsc.subcore_barrier()
    pltpu.sync_copy(
        acc.at[pl.ds(s * OUT_ROWS, OUT_ROWS)],
        out_hbm.at[pl.ds(c * N + s * OUT_ROWS, OUT_ROWS)])


def _sc_scratch():
    return [
        pltpu.VMEM((CHUNKS, CW), jnp.int32),
        pltpu.VMEM((CHUNKS, CW), jnp.int32),
        pltpu.VMEM((CW, C), jnp.int32),
        pltpu.VMEM((CW, C), jnp.int32),
        pltpu.VMEM_SHARED((ACC_ROWS, C), jnp.int32),
        pltpu.SemaphoreType.DMA,
        pltpu.SemaphoreType.DMA,
    ]


def _sc_mesh():
    return plsc.VectorSubcoreMesh(core_axis_name="c", subcore_axis_name="s")


def _sc_segsum(y, src_idx, dst_idx, zrows):

    @functools.partial(
        pl.kernel,
        out_type=jax.ShapeDtypeStruct((M, C), jnp.int32),
        mesh=_sc_mesh(),
        compiler_params=pltpu.CompilerParams(use_tc_tiling_on_sc=False),
        scratch_types=_sc_scratch(),
    )
    def k(y_hbm, src_hbm, dst_hbm, z_hbm, out_hbm,
          src_v, dst_v, buf0, buf1, acc, sem0, sem1):
        c = lax.axis_index("c")
        s = lax.axis_index("s")
        w = c * NSUB + s
        pltpu.sync_copy(src_hbm.at[w], src_v)
        pltpu.sync_copy(dst_hbm.at[w], dst_v)
        _sc_phase(y_hbm, out_hbm, src_v, dst_v, buf0, buf1, acc, sem0, sem1,
                  z_hbm, c, s)

    return k(y, src_idx, dst_idx, zrows)


def _sc_segsum2(ya, yb, src_idx, dst_idx, zrows):
    out_t = jax.ShapeDtypeStruct((M, C), jnp.int32)

    @functools.partial(
        pl.kernel,
        out_type=[out_t, out_t],
        mesh=_sc_mesh(),
        compiler_params=pltpu.CompilerParams(use_tc_tiling_on_sc=False),
        scratch_types=_sc_scratch(),
    )
    def k(ya_hbm, yb_hbm, src_hbm, dst_hbm, z_hbm, oa_hbm, ob_hbm,
          src_v, dst_v, buf0, buf1, acc, sem0, sem1):
        c = lax.axis_index("c")
        s = lax.axis_index("s")
        w = c * NSUB + s
        pltpu.sync_copy(src_hbm.at[w], src_v)
        pltpu.sync_copy(dst_hbm.at[w], dst_v)
        _sc_phase(ya_hbm, oa_hbm, src_v, dst_v, buf0, buf1, acc, sem0, sem1,
                  z_hbm, c, s)
        plsc.subcore_barrier()
        _sc_phase(yb_hbm, ob_hbm, src_v, dst_v, buf0, buf1, acc, sem0, sem1,
                  z_hbm, c, s)

    return k(ya, yb, src_idx, dst_idx, zrows)



_ROWS = pl.BlockSpec((RB, C), lambda i: (i, 0))
_BR = pl.BlockSpec((1, 1, RB), lambda i: (i, 0, 0))
_BC = pl.BlockSpec((1, RB, 1), lambda i: (i, 0, 0))
_STAT = pl.BlockSpec((B2, C), lambda i: (0, 0))
_DEG = pl.BlockSpec((1, B2), lambda i: (0, 0))


def _wspec(*shape):
    return pl.BlockSpec(shape, lambda i: tuple(0 for _ in shape))


def _quant(v, scale):
    y = v * scale
    return jnp.where(y >= 0.0, y + 0.5, y - 0.5).astype(jnp.int32)


def _tc_quant(x):
    cin = x.shape[1]

    def body(x_ref, o_ref):
        o_ref[...] = _quant(x_ref[...], SCALE1)

    return pl.pallas_call(
        body,
        grid=(NBLK,),
        in_specs=[pl.BlockSpec((RB, cin), lambda i: (i, 0))],
        out_specs=pl.BlockSpec((RB, cin), lambda i: (i, 0)),
        out_shape=jax.ShapeDtypeStruct((M, cin), jnp.int32),
    )(x)


def _tc_mlp_stats(x, agg, w1, b1, w2, b2, br, inv_scale):
    cin = x.shape[1]

    def body(x_ref, agg_ref, w1_ref, b1_ref, w2_ref, b2_ref, br_ref,
             h_ref, gsum_ref, deg_ref):
        i = pl.program_id(0)
        s = x_ref[...] + agg_ref[...].astype(jnp.float32) * inv_scale
        t = jnp.maximum(_bdot(s, w1_ref[...]) + b1_ref[...], 0.0)
        h = _bdot(t, w2_ref[...]) + b2_ref[...]
        h_ref[...] = h
        oh = (lax.broadcasted_iota(jnp.int32, (B2, RB), 0)
              == br_ref[0]).astype(jnp.float32)

        @pl.when(i == 0)
        def _():
            gsum_ref[...] = jnp.zeros_like(gsum_ref)
            deg_ref[...] = jnp.zeros_like(deg_ref)

        gsum_ref[...] += _dot(oh, h)
        deg_ref[...] += jnp.sum(oh, axis=1)[None, :]

    return pl.pallas_call(
        body,
        grid=(NBLK,),
        in_specs=[pl.BlockSpec((RB, cin), lambda i: (i, 0)),
                  pl.BlockSpec((RB, cin), lambda i: (i, 0)),
                  _wspec(cin, C), _wspec(1, C), _wspec(C, C), _wspec(1, C),
                  _BR],
        out_specs=[_ROWS, _STAT, _DEG],
        out_shape=[jax.ShapeDtypeStruct((M, C), jnp.float32),
                   jax.ShapeDtypeStruct((B2, C), jnp.float32),
                   jax.ShapeDtypeStruct((1, B2), jnp.float32)],
    )(x, agg, w1, b1, w2, b2, br)


def _tc_var(h, gsum, deg, bc, br):

    def body(h_ref, gsum_ref, deg_ref, bc_ref, br_ref, gvar_ref):
        i = pl.program_id(0)
        norm = jnp.maximum(deg_ref[0], 1.0) * float(C)
        mean = jnp.sum(gsum_ref[...], axis=1) / norm
        mean_rep = jnp.broadcast_to(mean[:, None], (B2, C))
        oh_t = (lax.broadcasted_iota(jnp.int32, (RB, B2), 1)
                == bc_ref[0]).astype(jnp.float32)
        xc = h_ref[...] - _dot(oh_t, mean_rep)
        oh = (lax.broadcasted_iota(jnp.int32, (B2, RB), 0)
              == br_ref[0]).astype(jnp.float32)

        @pl.when(i == 0)
        def _():
            gvar_ref[...] = jnp.zeros_like(gvar_ref)

        gvar_ref[...] += _dot(oh, xc * xc)

    return pl.pallas_call(
        body,
        grid=(NBLK,),
        in_specs=[_ROWS, _STAT, _DEG, _BC, _BR],
        out_specs=_STAT,
        out_shape=jax.ShapeDtypeStruct((B2, C), jnp.float32),
    )(h, gsum, deg, bc, br)


def _ln_consts(gsum_ref, gvar_ref, deg_ref):
    norm = jnp.maximum(deg_ref[0], 1.0) * float(C)
    mean = jnp.sum(gsum_ref[...], axis=1) / norm
    var = jnp.sum(gvar_ref[...], axis=1) / norm
    v = var + EPS
    inv = lax.rsqrt(v)
    inv = inv * (1.5 - 0.5 * v * inv * inv)
    mean_rep = jnp.broadcast_to(mean[:, None], (B2, C))
    inv_rep = jnp.broadcast_to(inv[:, None], (B2, C))
    return mean_rep, inv_rep


def _ln_block(h_ref, gsum_ref, gvar_ref, deg_ref, lnw_ref, lnb_ref, bc_ref):
    mean_rep, inv_rep = _ln_consts(gsum_ref, gvar_ref, deg_ref)
    oh_t = (lax.broadcasted_iota(jnp.int32, (RB, B2), 1)
            == bc_ref[0]).astype(jnp.float32)
    mean_n = _dot(oh_t, mean_rep)
    inv_n = _dot(oh_t, inv_rep)
    return jnp.maximum((h_ref[...] - mean_n) * inv_n * lnw_ref[...]
                       + lnb_ref[...], 0.0)


def _tc_ln(h, gsum, gvar, deg, lnw, lnb, bc):
    def body(h_ref, gsum_ref, gvar_ref, deg_ref, lnw_ref, lnb_ref, bc_ref,
             o_ref, oi_ref):
        hn = _ln_block(h_ref, gsum_ref, gvar_ref, deg_ref,
                       lnw_ref, lnb_ref, bc_ref)
        o_ref[...] = hn
        oi_ref[...] = _quant(hn, SCALE2)

    return pl.pallas_call(
        body,
        grid=(NBLK,),
        in_specs=[_ROWS, _STAT, _STAT, _DEG, _wspec(1, C), _wspec(1, C), _BC],
        out_specs=[_ROWS, _ROWS],
        out_shape=[jax.ShapeDtypeStruct((M, C), jnp.float32),
                   jax.ShapeDtypeStruct((M, C), jnp.int32)],
    )(h, gsum, gvar, deg, lnw, lnb, bc)


def _tc_ln_pool(h, gsum, gvar, deg, lnw, lnb, bc, br):

    def body(h_ref, gsum_ref, gvar_ref, deg_ref, lnw_ref, lnb_ref,
             bc_ref, br_ref, pool_ref):
        i = pl.program_id(0)
        hn = _ln_block(h_ref, gsum_ref, gvar_ref, deg_ref,
                       lnw_ref, lnb_ref, bc_ref)
        oh = (lax.broadcasted_iota(jnp.int32, (B2, RB), 0)
              == br_ref[0]).astype(jnp.float32)

        @pl.when(i == 0)
        def _():
            pool_ref[...] = jnp.zeros_like(pool_ref)

        pool_ref[...] += _dot(oh, hn)

    return pl.pallas_call(
        body,
        grid=(NBLK,),
        in_specs=[_ROWS, _STAT, _STAT, _DEG, _wspec(1, C), _wspec(1, C),
                  _BC, _BR],
        out_specs=_STAT,
        out_shape=jax.ShapeDtypeStruct((B2, C), jnp.float32),
    )(h, gsum, gvar, deg, lnw, lnb, bc, br)


def _tc_head(pool, deg, d1, d2, fc1w, fc1b, fc2w, fc2b, ow, ob):
    def body(pool_ref, deg_ref, d1_ref, d2_ref, f1w_ref, f1b_ref,
             f2w_ref, f2b_ref, ow_ref, ob_ref, o_ref):
        cnt = jnp.maximum(deg_ref[0], 1.0)
        pool = pool_ref[...]
        emb = pool + pool / cnt[:, None]
        comb = jnp.concatenate(
            [emb[:B, :], emb[B:, :], d1_ref[...], d2_ref[...],
             jnp.zeros((B, 6), jnp.float32)], axis=1)
        hh = jnp.maximum(_bdot(comb, f1w_ref[...]) + f1b_ref[...], 0.0)
        hh = jnp.maximum(_bdot(hh, f2w_ref[...]) + f2b_ref[...], 0.0)
        o_ref[...] = _bdot(hh, ow_ref[...]) + ob_ref[...]

    return pl.pallas_call(
        body,
        out_shape=jax.ShapeDtypeStruct((B, 1), jnp.float32),
    )(pool, deg, d1, d2, fc1w, fc1b, fc2w, fc2b, ow, ob)


def kernel(g1_x, g1_edge_index, g1_batch, g2_x, g2_edge_index, g2_batch,
           d1, d2, nn1_w1, nn1_b1, nn1_w2, nn1_b2, ln1_w, ln1_b,
           nn2_w1, nn2_b1, nn2_w2, nn2_b2, ln2_w, ln2_b,
           fc1_w, fc1_b, fc2_w, fc2_b, out_w, out_b):
    x_all = jnp.concatenate([g1_x, g2_x], axis=0)
    batch_all = jnp.concatenate([g1_batch, g2_batch + B]).astype(jnp.int32)
    br = batch_all.reshape(NBLK, 1, RB)
    bc = batch_all.reshape(NBLK, RB, 1)

    npad = E_PAD - E
    src = jnp.stack([
        jnp.concatenate([g1_edge_index[0], jnp.zeros((npad,), jnp.int32)]),
        jnp.concatenate([g2_edge_index[0] + N, jnp.full((npad,), N, jnp.int32)]),
    ]).reshape(2 * NSUB, CHUNKS, CW)
    pad_dst = jnp.full((npad,), DUMMY_ROW, jnp.int32)
    dst = jnp.stack([
        jnp.concatenate([g1_edge_index[1], pad_dst]),
        jnp.concatenate([g2_edge_index[1], pad_dst]),
    ]).reshape(2 * NSUB, CHUNKS, CW)
    zrows = jnp.zeros((SUB_ROWS, C), jnp.int32)

    fc1w_p = jnp.concatenate([fc1_w, jnp.zeros((6, fc1_w.shape[1]),
                                               jnp.float32)], axis=0)

    xi = _tc_quant(x_all)
    aL, aR = _sc_segsum2(xi[:, :C], xi[:, C:], src, dst, zrows)
    agg1 = jnp.concatenate([aL, aR], axis=1)
    h1, gsum1, deg = _tc_mlp_stats(x_all, agg1, nn1_w1, nn1_b1[None],
                                   nn1_w2, nn1_b2[None], br, 1.0 / SCALE1)
    gvar1 = _tc_var(h1, gsum1, deg, bc, br)
    h1r, h1i = _tc_ln(h1, gsum1, gvar1, deg, ln1_w[None], ln1_b[None], bc)
    agg2 = _sc_segsum(h1i, src, dst, zrows)
    h2, gsum2, _ = _tc_mlp_stats(h1r, agg2, nn2_w1, nn2_b1[None],
                                 nn2_w2, nn2_b2[None], br, 1.0 / SCALE2)
    gvar2 = _tc_var(h2, gsum2, deg, bc, br)
    pool = _tc_ln_pool(h2, gsum2, gvar2, deg, ln2_w[None], ln2_b[None], bc, br)
    return _tc_head(pool, deg, d1, d2, fc1w_p, fc1_b[None], fc2_w,
                    fc2_b[None], out_w, out_b[None])

# --- scband reference (transcript-rebuilt; emitter-appended) ---
"""Pipeline reference for scband-gnnmodel-18270790877246 (READ-ONLY COPY).

The authoritative reference and input builder live on the scoring server;
editing this copy changes nothing except your own understanding.
"""

import jax, jax.numpy as jnp
import numpy as np

N = 10000
B = 64
EPS = 1e-5


def _ln_graph(x, batch, w, b):
    # PyG LayerNorm mode='graph': normalize over all nodes AND channels per graph
    deg = jax.ops.segment_sum(jnp.ones((x.shape[0],), x.dtype), batch, num_segments=B)
    norm = jnp.maximum(deg, 1.0) * x.shape[-1]
    mean = jax.ops.segment_sum(x, batch, num_segments=B).sum(-1) / norm
    xc = x - mean[batch][:, None]
    var = jax.ops.segment_sum(xc * xc, batch, num_segments=B).sum(-1) / norm
    return (xc / jnp.sqrt(var + EPS)[batch][:, None]) * w + b


def _backbone(x, edge_index, batch, p):
    src = edge_index[0]
    dst = edge_index[1]
    # GINConv (eps=0): h_i = nn((1+eps)*x_i + sum_{j->i} x_j)
    agg = jax.ops.segment_sum(x[src], dst, num_segments=N)
    h = x + agg
    h = jnp.maximum(h @ p['nn1_w1'] + p['nn1_b1'], 0.0) @ p['nn1_w2'] + p['nn1_b2']
    h = jnp.maximum(_ln_graph(h, batch, p['ln1_w'], p['ln1_b']), 0.0)
    agg2 = jax.ops.segment_sum(h[src], dst, num_segments=N)
    h2 = h + agg2
    h2 = jnp.maximum(h2 @ p['nn2_w1'] + p['nn2_b1'], 0.0) @ p['nn2_w2'] + p['nn2_b2']
    h2 = jnp.maximum(_ln_graph(h2, batch, p['ln2_w'], p['ln2_b']), 0.0)
    s = jax.ops.segment_sum(h2, batch, num_segments=B)
    cnt = jnp.maximum(jax.ops.segment_sum(jnp.ones((h2.shape[0],), h2.dtype), batch, num_segments=B), 1.0)
    return s + s / cnt[:, None]  # global_add_pool + global_mean_pool


def setup_inputs(seed: int = 0):
    key = jax.random.key(seed)
    ks = jax.random.split(key, 20)

    def lin(k, i, o):
        return jax.random.normal(k, (i, o), jnp.float32) / np.sqrt(i), jnp.zeros((o,), jnp.float32)

    inp = {}
    inp['g1_x'] = jax.random.normal(ks[0], (N, 128), jnp.float32)
    inp['g1_edge_index'] = jax.random.randint(ks[1], (2, 320000), 0, N, jnp.int32)
    inp['g1_batch'] = jnp.sort(jax.random.randint(ks[2], (N,), 0, B, jnp.int32))
    inp['g2_x'] = jax.random.normal(ks[3], (N, 128), jnp.float32)
    inp['g2_edge_index'] = jax.random.randint(ks[4], (2, 320000), 0, N, jnp.int32)
    inp['g2_batch'] = jnp.sort(jax.random.randint(ks[5], (N,), 0, B, jnp.int32))
    inp['d1'] = jax.random.normal(ks[6], (B, 5), jnp.float32)
    inp['d2'] = jax.random.normal(ks[7], (B, 5), jnp.float32)
    inp['nn1_w1'], inp['nn1_b1'] = lin(ks[8], 128, 64)
    inp['nn1_w2'], inp['nn1_b2'] = lin(ks[9], 64, 64)
    inp['ln1_w'] = jnp.ones((64,), jnp.float32)
    inp['ln1_b'] = jnp.zeros((64,), jnp.float32)
    inp['nn2_w1'], inp['nn2_b1'] = lin(ks[10], 64, 64)
    inp['nn2_w2'], inp['nn2_b2'] = lin(ks[11], 64, 64)
    inp['ln2_w'] = jnp.ones((64,), jnp.float32)
    inp['ln2_b'] = jnp.zeros((64,), jnp.float32)
    inp['fc1_w'], inp['fc1_b'] = lin(ks[12], 138, 128)
    inp['fc2_w'], inp['fc2_b'] = lin(ks[13], 128, 64)
    inp['out_w'], inp['out_b'] = lin(ks[14], 64, 1)
    return inp


def reference(g1_x, g1_edge_index, g1_batch, g2_x, g2_edge_index, g2_batch, d1, d2,
              nn1_w1, nn1_b1, nn1_w2, nn1_b2, ln1_w, ln1_b,
              nn2_w1, nn2_b1, nn2_w2, nn2_b2, ln2_w, ln2_b,
              fc1_w, fc1_b, fc2_w, fc2_b, out_w, out_b):
    p = dict(nn1_w1=nn1_w1, nn1_b1=nn1_b1, nn1_w2=nn1_w2, nn1_b2=nn1_b2,
             ln1_w=ln1_w, ln1_b=ln1_b,
             nn2_w1=nn2_w1, nn2_b1=nn2_b1, nn2_w2=nn2_w2, nn2_b2=nn2_b2,
             ln2_w=ln2_w, ln2_b=ln2_b)
    emb1 = _backbone(g1_x, g1_edge_index, g1_batch, p)
    emb2 = _backbone(g2_x, g2_edge_index, g2_batch, p)
    combined = jnp.concatenate([emb1, emb2, d1, d2], axis=1)
    h = jnp.maximum(combined @ fc1_w + fc1_b, 0.0)
    # dropout p=0.5 is identity in eval mode
    h = jnp.maximum(h @ fc2_w + fc2_b, 0.0)
    return h @ out_w + out_b

if __name__ == "__main__":
    import jax
    _d = setup_inputs()
    print(jax.jit(kernel)(*tuple(_d.values())))

</pallas_src>

<mosaic_0001>
#map = affine_map<(d0, d1) -> (0, 0)>
#map1 = affine_map<(d0, d1) -> (0, 0, 0)>
module attributes {stable_mosaic.version = 14 : i64} {
  func.func @k(%arg0: i32, %arg1: i32, %arg2: memref<20000x64xi32, #tpu.memory_space<hbm>>, %arg3: memref<32x160x128xi32, #tpu.memory_space<hbm>>, %arg4: memref<32x160x128xi32, #tpu.memory_space<hbm>>, %arg5: memref<640x64xi32, #tpu.memory_space<hbm>>, %arg6: memref<20000x64xi32, #tpu.memory_space<hbm>>, %arg7: memref<160x128xi32, #tpu.memory_space<vmem>>, %arg8: memref<160x128xi32, #tpu.memory_space<vmem>>, %arg9: memref<128x64xi32, #tpu.memory_space<vmem>>, %arg10: memref<128x64xi32, #tpu.memory_space<vmem>>, %arg11: memref<10240x64xi32, #tpu.memory_space<vmem_shared>>, %arg12: memref<!tpu.dma_semaphore, #tpu.memory_space<semaphore_mem>>, %arg13: memref<!tpu.dma_semaphore, #tpu.memory_space<semaphore_mem>>) attributes {dimension_semantics = [#tpu.dimension_semantics<core_parallel>, #tpu.dimension_semantics<subcore_parallel>], iteration_bounds = array<i64: 2, 16>, scalar_prefetch = 0 : i64, scratch_operands = 7 : i64, tpu.core_type = #tpu.core_type<sc_vector_subcore>, window_params = [{transform_indices = #map}, {transform_indices = #map1}, {transform_indices = #map1}, {transform_indices = #map}, {transform_indices = #map}]} {
    %mul3A = arith.constant 16 : i32
    %mul3A_0 = arith.muli %arg0, %mul3A : i32
    %add3A = arith.addi %mul3A_0, %arg1 : i32
    "tpu.region"() ({
      %run_scoped3A_42 = tpu.sem_alloc : memref<!tpu.dma_semaphore, #tpu.memory_space<semaphore_mem>>
      %dma_start3A_43 = arith.constant 0 : i32
      %dma_start3A_44 = arith.constant 0 : i32
      %dma_start3A_45 = tpu.memref_slice %arg3[%add3A, %dma_start3A_43, %dma_start3A_44] : memref<32x160x128xi32, #tpu.memory_space<hbm>> -> memref<1x160x128xi32, #tpu.memory_space<hbm>>
      %dma_start3A_46 = tpu.memref_squeeze %dma_start3A_45 : memref<1x160x128xi32, #tpu.memory_space<hbm>> -> memref<160x128xi32, #tpu.memory_space<hbm>>
      %dma_start3A_47 = arith.constant 0 : i32
      %dma_start3A_48 = arith.constant 0 : i32
      %dma_start3A_49 = tpu.memref_slice %arg3[%add3A, %dma_start3A_47, %dma_start3A_48] : memref<32x160x128xi32, #tpu.memory_space<hbm>> -> memref<1x160x128xi32, #tpu.memory_space<hbm>>
      %dma_start3A_50 = tpu.memref_squeeze %dma_start3A_49 : memref<1x160x128xi32, #tpu.memory_space<hbm>> -> memref<160x128xi32, #tpu.memory_space<hbm>>
      tpu.enqueue_dma source(%dma_start3A_50 : memref<160x128xi32, #tpu.memory_space<hbm>>) target(%arg7 : memref<160x128xi32, #tpu.memory_space<vmem>>) target_semaphore(%run_scoped3A_42 : memref<!tpu.dma_semaphore, #tpu.memory_space<semaphore_mem>>)
      %dma_wait3A_51 = arith.constant 0 : i32
      %dma_wait3A_52 = arith.constant 0 : i32
      %dma_wait3A_53 = tpu.memref_slice %arg3[%add3A, %dma_wait3A_51, %dma_wait3A_52] : memref<32x160x128xi32, #tpu.memory_space<hbm>> -> memref<1x160x128xi32, #tpu.memory_space<hbm>>
      %dma_wait3A_54 = tpu.memref_squeeze %dma_wait3A_53 : memref<1x160x128xi32, #tpu.memory_space<hbm>> -> memref<160x128xi32, #tpu.memory_space<hbm>>
      %dma_wait3A_55 = arith.constant 0 : i32
      %dma_wait3A_56 = arith.constant 0 : i32
      %dma_wait3A_57 = tpu.memref_slice %arg3[%add3A, %dma_wait3A_55, %dma_wait3A_56] : memref<32x160x128xi32, #tpu.memory_space<hbm>> -> memref<1x160x128xi32, #tpu.memory_space<hbm>>
      %dma_wait3A_58 = tpu.memref_squeeze %dma_wait3A_57 : memref<1x160x128xi32, #tpu.memory_space<hbm>> -> memref<160x128xi32, #tpu.memory_space<hbm>>
      tpu.wait_dma2 semaphore(%run_scoped3A_42 : memref<!tpu.dma_semaphore, #tpu.memory_space<semaphore_mem>>) src(%dma_wait3A_58 : memref<160x128xi32, #tpu.memory_space<hbm>>) dst(%arg7 : memref<160x128xi32, #tpu.memory_space<vmem>>)
      tpu.yield
    }) : () -> ()
    "tpu.region"() ({
      %run_scoped3A_42 = tpu.sem_alloc : memref<!tpu.dma_semaphore, #tpu.memory_space<semaphore_mem>>
      %dma_start3A_43 = arith.constant 0 : i32
      %dma_start3A_44 = arith.constant 0 : i32
      %dma_start3A_45 = tpu.memref_slice %arg4[%add3A, %dma_start3A_43, %dma_start3A_44] : memref<32x160x128xi32, #tpu.memory_space<hbm>> -> memref<1x160x128xi32, #tpu.memory_space<hbm>>
      %dma_start3A_46 = tpu.memref_squeeze %dma_start3A_45 : memref<1x160x128xi32, #tpu.memory_space<hbm>> -> memref<160x128xi32, #tpu.memory_space<hbm>>
      %dma_start3A_47 = arith.constant 0 : i32
      %dma_start3A_48 = arith.constant 0 : i32
      %dma_start3A_49 = tpu.memref_slice %arg4[%add3A, %dma_start3A_47, %dma_start3A_48] : memref<32x160x128xi32, #tpu.memory_space<hbm>> -> memref<1x160x128xi32, #tpu.memory_space<hbm>>
      %dma_start3A_50 = tpu.memref_squeeze %dma_start3A_49 : memref<1x160x128xi32, #tpu.memory_space<hbm>> -> memref<160x128xi32, #tpu.memory_space<hbm>>
      tpu.enqueue_dma source(%dma_start3A_50 : memref<160x128xi32, #tpu.memory_space<hbm>>) target(%arg8 : memref<160x128xi32, #tpu.memory_space<vmem>>) target_semaphore(%run_scoped3A_42 : memref<!tpu.dma_semaphore, #tpu.memory_space<semaphore_mem>>)
      %dma_wait3A_51 = arith.constant 0 : i32
      %dma_wait3A_52 = arith.constant 0 : i32
      %dma_wait3A_53 = tpu.memref_slice %arg4[%add3A, %dma_wait3A_51, %dma_wait3A_52] : memref<32x160x128xi32, #tpu.memory_space<hbm>> -> memref<1x160x128xi32, #tpu.memory_space<hbm>>
      %dma_wait3A_54 = tpu.memref_squeeze %dma_wait3A_53 : memref<1x160x128xi32, #tpu.memory_space<hbm>> -> memref<160x128xi32, #tpu.memory_space<hbm>>
      %dma_wait3A_55 = arith.constant 0 : i32
      %dma_wait3A_56 = arith.constant 0 : i32
      %dma_wait3A_57 = tpu.memref_slice %arg4[%add3A, %dma_wait3A_55, %dma_wait3A_56] : memref<32x160x128xi32, #tpu.memory_space<hbm>> -> memref<1x160x128xi32, #tpu.memory_space<hbm>>
      %dma_wait3A_58 = tpu.memref_squeeze %dma_wait3A_57 : memref<1x160x128xi32, #tpu.memory_space<hbm>> -> memref<160x128xi32, #tpu.memory_space<hbm>>
      tpu.wait_dma2 semaphore(%run_scoped3A_42 : memref<!tpu.dma_semaphore, #tpu.memory_space<semaphore_mem>>) src(%dma_wait3A_58 : memref<160x128xi32, #tpu.memory_space<hbm>>) dst(%arg8 : memref<160x128xi32, #tpu.memory_space<vmem>>)
      tpu.yield
    }) : () -> ()
    %mul3A_1 = arith.constant 640 : i32
    %mul3A_2 = arith.muli %arg1, %mul3A_1 : i32
    "tpu.region"() ({
      %run_scoped3A_42 = tpu.sem_alloc : memref<!tpu.dma_semaphore, #tpu.memory_space<semaphore_mem>>
      %dma_start3A_43 = arith.constant 0 : i32
      %dma_start3A_44 = tpu.memref_slice %arg11[%mul3A_2, %dma_start3A_43] : memref<10240x64xi32, #tpu.memory_space<vmem_shared>> -> memref<640x64xi32, #tpu.memory_space<vmem_shared>>
      tpu.enqueue_dma source(%arg5 : memref<640x64xi32, #tpu.memory_space<hbm>>) target(%dma_start3A_44 : memref<640x64xi32, #tpu.memory_space<vmem_shared>>) target_semaphore(%run_scoped3A_42 : memref<!tpu.dma_semaphore, #tpu.memory_space<semaphore_mem>>)
      %dma_wait3A_45 = arith.constant 0 : i32
      %dma_wait3A_46 = tpu.memref_slice %arg11[%mul3A_2, %dma_wait3A_45] : memref<10240x64xi32, #tpu.memory_space<vmem_shared>> -> memref<640x64xi32, #tpu.memory_space<vmem_shared>>
      tpu.wait_dma2 semaphore(%run_scoped3A_42 : memref<!tpu.dma_semaphore, #tpu.memory_space<semaphore_mem>>) src(%arg5 : memref<640x64xi32, #tpu.memory_space<hbm>>) dst(%dma_wait3A_46 : memref<640x64xi32, #tpu.memory_space<vmem_shared>>)
      tpu.yield
    }) : () -> ()
    %barrier3A = arith.constant 0 : index
    tpu.barrier barrier_id(%barrier3A)
    %dma_start3A = arith.constant 0 : i32
    %dma_start3A_3 = arith.constant 0 : i32
    %dma_start3A_4 = tpu.memref_slice %arg7[%dma_start3A, %dma_start3A_3] : memref<160x128xi32, #tpu.memory_space<vmem>> -> memref<1x128xi32, #tpu.memory_space<vmem>>
    %dma_start3A_5 = tpu.memref_squeeze %dma_start3A_4 : memref<1x128xi32, #tpu.memory_space<vmem>> -> memref<128xi32, #tpu.memory_space<vmem>>
    %dma_start3A_6 = arith.constant 0 : i32
    %dma_start3A_7 = arith.constant 0 : i32
    %dma_start3A_8 = tpu.memref_slice %arg2[%dma_start3A_6, %dma_start3A_7] : memref<20000x64xi32, #tpu.memory_space<hbm>> -> memref<20000x64xi32, #tpu.memory_space<hbm>>
    tpu.enqueue_indirect_dma source(%dma_start3A_8 : memref<20000x64xi32, #tpu.memory_space<hbm>>) target(%arg9 : memref<128x64xi32, #tpu.memory_space<vmem>>) offsets(%dma_start3A_5 : memref<128xi32, #tpu.memory_space<vmem>>) semaphore(%arg12 : memref<!tpu.dma_semaphore, #tpu.memory_space<semaphore_mem>>)
    %scan3A = arith.constant 0 : i32
    %scan3A_9 = arith.constant 79 : i32
    %scan3A_10 = arith.addi %scan3A, %scan3A_9 : i32
    %scan3A_11 = arith.constant 1 : i32
    scf.for %scan3A_42 = %scan3A to %scan3A_10 step %scan3A_11  : i32 {
      %mul3A_43 = arith.constant 2 : i32
      %mul3A_44 = arith.muli %scan3A_42, %mul3A_43 : i32
      %add3A_45 = arith.constant 0 : i32
      %add3A_46 = arith.addi %add3A_45, %mul3A_44 : i32
      %add3A_47 = arith.constant 1 : i32
      %add3A_48 = arith.addi %add3A_46, %add3A_47 : i32
      %dma_start3A_49 = arith.constant 0 : i32
      %dma_start3A_50 = tpu.memref_slice %arg7[%add3A_48, %dma_start3A_49] : memref<160x128xi32, #tpu.memory_space<vmem>> -> memref<1x128xi32, #tpu.memory_space<vmem>>
      %dma_start3A_51 = tpu.memref_squeeze %dma_start3A_50 : memref<1x128xi32, #tpu.memory_space<vmem>> -> memref<128xi32, #tpu.memory_space<vmem>>
      %dma_start3A_52 = arith.constant 0 : i32
      %dma_start3A_53 = arith.constant 0 : i32
      %dma_start3A_54 = tpu.memref_slice %arg2[%dma_start3A_52, %dma_start3A_53] : memref<20000x64xi32, #tpu.memory_space<hbm>> -> memref<20000x64xi32, #tpu.memory_space<hbm>>
      tpu.enqueue_indirect_dma source(%dma_start3A_54 : memref<20000x64xi32, #tpu.memory_space<hbm>>) target(%arg10 : memref<128x64xi32, #tpu.memory_space<vmem>>) offsets(%dma_start3A_51 : memref<128xi32, #tpu.memory_space<vmem>>) semaphore(%arg13 : memref<!tpu.dma_semaphore, #tpu.memory_space<semaphore_mem>>)
      %dma_wait3A_55 = arith.constant 0 : i32
      %dma_wait3A_56 = tpu.memref_slice %arg7[%add3A_46, %dma_wait3A_55] : memref<160x128xi32, #tpu.memory_space<vmem>> -> memref<1x128xi32, #tpu.memory_space<vmem>>
      %dma_wait3A_57 = tpu.memref_squeeze %dma_wait3A_56 : memref<1x128xi32, #tpu.memory_space<vmem>> -> memref<128xi32, #tpu.memory_space<vmem>>
      %dma_wait3A_58 = arith.constant 0 : i32
      %dma_wait3A_59 = arith.constant 0 : i32
      %dma_wait3A_60 = tpu.memref_slice %arg2[%dma_wait3A_58, %dma_wait3A_59] : memref<20000x64xi32, #tpu.memory_space<hbm>> -> memref<20000x64xi32, #tpu.memory_space<hbm>>
      tpu.wait_indirect_dma semaphore(%arg12 : memref<!tpu.dma_semaphore, #tpu.memory_space<semaphore_mem>>) src(%dma_wait3A_60 : memref<20000x64xi32, #tpu.memory_space<hbm>>) dst(%arg9 : memref<128x64xi32, #tpu.memory_space<vmem>>)
      "tpu.region"() ({
        %run_scoped3A_79 = tpu.sem_alloc : memref<!tpu.dma_semaphore, #tpu.memory_space<semaphore_mem>>
        %dma_start3A_80 = arith.constant 0 : i32
        %dma_start3A_81 = tpu.memref_slice %arg8[%add3A_46, %dma_start3A_80] : memref<160x128xi32, #tpu.memory_space<vmem>> -> memref<1x128xi32, #tpu.memory_space<vmem>>
        %dma_start3A_82 = tpu.memref_squeeze %dma_start3A_81 : memref<1x128xi32, #tpu.memory_space<vmem>> -> memref<128xi32, #tpu.memory_space<vmem>>
        %dma_start3A_83 = arith.constant 0 : i32
        %dma_start3A_84 = arith.constant 0 : i32
        %dma_start3A_85 = tpu.memref_slice %arg11[%dma_start3A_83, %dma_start3A_84] : memref<10240x64xi32, #tpu.memory_space<vmem_shared>> -> memref<10240x64xi32, #tpu.memory_space<vmem_shared>>
        tpu.enqueue_indirect_dma source(%arg9 : memref<128x64xi32, #tpu.memory_space<vmem>>) target(%dma_start3A_85 : memref<10240x64xi32, #tpu.memory_space<vmem_shared>>) offsets(%dma_start3A_82 : memref<128xi32, #tpu.memory_space<vmem>>) semaphore(%run_scoped3A_79 : memref<!tpu.dma_semaphore, #tpu.memory_space<semaphore_mem>>) {add = true}
        %dma_wait3A_86 = arith.constant 0 : i32
        %dma_wait3A_87 = tpu.memref_slice %arg8[%add3A_46, %dma_wait3A_86] : memref<160x128xi32, #tpu.memory_space<vmem>> -> memref<1x128xi32, #tpu.memory_space<vmem>>
        %dma_wait3A_88 = tpu.memref_squeeze %dma_wait3A_87 : memref<1x128xi32, #tpu.memory_space<vmem>> -> memref<128xi32, #tpu.memory_space<vmem>>
        %dma_wait3A_89 = arith.constant 0 : i32
        %dma_wait3A_90 = arith.constant 0 : i32
        %dma_wait3A_91 = tpu.memref_slice %arg11[%dma_wait3A_89, %dma_wait3A_90] : memref<10240x64xi32, #tpu.memory_space<vmem_shared>> -> memref<10240x64xi32, #tpu.memory_space<vmem_shared>>
        tpu.wait_indirect_dma semaphore(%run_scoped3A_79 : memref<!tpu.dma_semaphore, #tpu.memory_space<semaphore_mem>>) src(%arg9 : memref<128x64xi32, #tpu.memory_space<vmem>>) dst(%dma_wait3A_91 : memref<10240x64xi32, #tpu.memory_space<vmem_shared>>)
        tpu.yield
      }) : () -> ()
      %add3A_61 = arith.constant 2 : i32
      %add3A_62 = arith.addi %add3A_46, %add3A_61 : i32
      %dma_start3A_63 = arith.constant 0 : i32
      %dma_start3A_64 = tpu.memref_slice %arg7[%add3A_62, %dma_start3A_63] : memref<160x128xi32, #tpu.memory_space<vmem>> -> memref<1x128xi32, #tpu.memory_space<vmem>>
      %dma_start3A_65 = tpu.memref_squeeze %dma_start3A_64 : memref<1x128xi32, #tpu.memory_space<vmem>> -> memref<128xi32, #tpu.memory_space<vmem>>
      %dma_start3A_66 = arith.constant 0 : i32
      %dma_start3A_67 = arith.constant 0 : i32
      %dma_start3A_68 = tpu.memref_slice %arg2[%dma_start3A_66, %dma_start3A_67] : memref<20000x64xi32, #tpu.memory_space<hbm>> -> memref<20000x64xi32, #tpu.memory_space<hbm>>
      tpu.enqueue_indirect_dma source(%dma_start3A_68 : memref<20000x64xi32, #tpu.memory_space<hbm>>) target(%arg9 : memref<128x64xi32, #tpu.memory_space<vmem>>) offsets(%dma_start3A_65 : memref<128xi32, #tpu.memory_space<vmem>>) semaphore(%arg12 : memref<!tpu.dma_semaphore, #tpu.memory_space<semaphore_mem>>)
      %add3A_69 = arith.constant 1 : i32
      %add3A_70 = arith.addi %add3A_46, %add3A_69 : i32
      %dma_wait3A_71 = arith.constant 0 : i32
      %dma_wait3A_72 = tpu.memref_slice %arg7[%add3A_70, %dma_wait3A_71] : memref<160x128xi32, #tpu.memory_space<vmem>> -> memref<1x128xi32, #tpu.memory_space<vmem>>
      %dma_wait3A_73 = tpu.memref_squeeze %dma_wait3A_72 : memref<1x128xi32, #tpu.memory_space<vmem>> -> memref<128xi32, #tpu.memory_space<vmem>>
      %dma_wait3A_74 = arith.constant 0 : i32
      %dma_wait3A_75 = arith.constant 0 : i32
      %dma_wait3A_76 = tpu.memref_slice %arg2[%dma_wait3A_74, %dma_wait3A_75] : memref<20000x64xi32, #tpu.memory_space<hbm>> -> memref<20000x64xi32, #tpu.memory_space<hbm>>
      tpu.wait_indirect_dma semaphore(%arg13 : memref<!tpu.dma_semaphore, #tpu.memory_space<semaphore_mem>>) src(%dma_wait3A_76 : memref<20000x64xi32, #tpu.memory_space<hbm>>) dst(%arg10 : memref<128x64xi32, #tpu.memory_space<vmem>>)
      %add3A_77 = arith.constant 1 : i32
      %add3A_78 = arith.addi %add3A_46, %add3A_77 : i32
      "tpu.region"() ({
        %run_scoped3A_79 = tpu.sem_alloc : memref<!tpu.dma_semaphore, #tpu.memory_space<semaphore_mem>>
        %dma_start3A_80 = arith.constant 0 : i32
        %dma_start3A_81 = tpu.memref_slice %arg8[%add3A_78, %dma_start3A_80] : memref<160x128xi32, #tpu.memory_space<vmem>> -> memref<1x128xi32, #tpu.memory_space<vmem>>
        %dma_start3A_82 = tpu.memref_squeeze %dma_start3A_81 : memref<1x128xi32, #tpu.memory_space<vmem>> -> memref<128xi32, #tpu.memory_space<vmem>>
        %dma_start3A_83 = arith.constant 0 : i32
        %dma_start3A_84 = arith.constant 0 : i32
        %dma_start3A_85 = tpu.memref_slice %arg11[%dma_start3A_83, %dma_start3A_84] : memref<10240x64xi32, #tpu.memory_space<vmem_shared>> -> memref<10240x64xi32, #tpu.memory_space<vmem_shared>>
        tpu.enqueue_indirect_dma source(%arg10 : memref<128x64xi32, #tpu.memory_space<vmem>>) target(%dma_start3A_85 : memref<10240x64xi32, #tpu.memory_space<vmem_shared>>) offsets(%dma_start3A_82 : memref<128xi32, #tpu.memory_space<vmem>>) semaphore(%run_scoped3A_79 : memref<!tpu.dma_semaphore, #tpu.memory_space<semaphore_mem>>) {add = true}
        %dma_wait3A_86 = arith.constant 0 : i32
        %dma_wait3A_87 = tpu.memref_slice %arg8[%add3A_78, %dma_wait3A_86] : memref<160x128xi32, #tpu.memory_space<vmem>> -> memref<1x128xi32, #tpu.memory_space<vmem>>
        %dma_wait3A_88 = tpu.memref_squeeze %dma_wait3A_87 : memref<1x128xi32, #tpu.memory_space<vmem>> -> memref<128xi32, #tpu.memory_space<vmem>>
        %dma_wait3A_89 = arith.constant 0 : i32
        %dma_wait3A_90 = arith.constant 0 : i32
        %dma_wait3A_91 = tpu.memref_slice %arg11[%dma_wait3A_89, %dma_wait3A_90] : memref<10240x64xi32, #tpu.memory_space<vmem_shared>> -> memref<10240x64xi32, #tpu.memory_space<vmem_shared>>
        tpu.wait_indirect_dma semaphore(%run_scoped3A_79 : memref<!tpu.dma_semaphore, #tpu.memory_space<semaphore_mem>>) src(%arg10 : memref<128x64xi32, #tpu.memory_space<vmem>>) dst(%dma_wait3A_91 : memref<10240x64xi32, #tpu.memory_space<vmem_shared>>)
        tpu.yield
      }) : () -> ()
    }
    %scan3A_12 = arith.constant 79 : i32
    %dma_start3A_13 = arith.constant 159 : i32
    %dma_start3A_14 = arith.constant 0 : i32
    %dma_start3A_15 = tpu.memref_slice %arg7[%dma_start3A_13, %dma_start3A_14] : memref<160x128xi32, #tpu.memory_space<vmem>> -> memref<1x128xi32, #tpu.memory_space<vmem>>
    %dma_start3A_16 = tpu.memref_squeeze %dma_start3A_15 : memref<1x128xi32, #tpu.memory_space<vmem>> -> memref<128xi32, #tpu.memory_space<vmem>>
    %dma_start3A_17 = arith.constant 0 : i32
    %dma_start3A_18 = arith.constant 0 : i32
    %dma_start3A_19 = tpu.memref_slice %arg2[%dma_start3A_17, %dma_start3A_18] : memref<20000x64xi32, #tpu.memory_space<hbm>> -> memref<20000x64xi32, #tpu.memory_space<hbm>>
    tpu.enqueue_indirect_dma source(%dma_start3A_19 : memref<20000x64xi32, #tpu.memory_space<hbm>>) target(%arg10 : memref<128x64xi32, #tpu.memory_space<vmem>>) offsets(%dma_start3A_16 : memref<128xi32, #tpu.memory_space<vmem>>) semaphore(%arg13 : memref<!tpu.dma_semaphore, #tpu.memory_space<semaphore_mem>>)
    %dma_wait3A = arith.constant 158 : i32
    %dma_wait3A_20 = arith.constant 0 : i32
    %dma_wait3A_21 = tpu.memref_slice %arg7[%dma_wait3A, %dma_wait3A_20] : memref<160x128xi32, #tpu.memory_space<vmem>> -> memref<1x128xi32, #tpu.memory_space<vmem>>
    %dma_wait3A_22 = tpu.memref_squeeze %dma_wait3A_21 : memref<1x128xi32, #tpu.memory_space<vmem>> -> memref<128xi32, #tpu.memory_space<vmem>>
    %dma_wait3A_23 = arith.constant 0 : i32
    %dma_wait3A_24 = arith.constant 0 : i32
    %dma_wait3A_25 = tpu.memref_slice %arg2[%dma_wait3A_23, %dma_wait3A_24] : memref<20000x64xi32, #tpu.memory_space<hbm>> -> memref<20000x64xi32, #tpu.memory_space<hbm>>
    tpu.wait_indirect_dma semaphore(%arg12 : memref<!tpu.dma_semaphore, #tpu.memory_space<semaphore_mem>>) src(%dma_wait3A_25 : memref<20000x64xi32, #tpu.memory_space<hbm>>) dst(%arg9 : memref<128x64xi32, #tpu.memory_space<vmem>>)
    %run_scoped3A = arith.constant 158 : i32
    "tpu.region"() ({
      %run_scoped3A_42 = tpu.sem_alloc : memref<!tpu.dma_semaphore, #tpu.memory_space<semaphore_mem>>
      %dma_start3A_43 = arith.constant 0 : i32
      %dma_start3A_44 = tpu.memref_slice %arg8[%run_scoped3A, %dma_start3A_43] : memref<160x128xi32, #tpu.memory_space<vmem>> -> memref<1x128xi32, #tpu.memory_space<vmem>>
      %dma_start3A_45 = tpu.memref_squeeze %dma_start3A_44 : memref<1x128xi32, #tpu.memory_space<vmem>> -> memref<128xi32, #tpu.memory_space<vmem>>
      %dma_start3A_46 = arith.constant 0 : i32
      %dma_start3A_47 = arith.constant 0 : i32
      %dma_start3A_48 = tpu.memref_slice %arg11[%dma_start3A_46, %dma_start3A_47] : memref<10240x64xi32, #tpu.memory_space<vmem_shared>> -> memref<10240x64xi32, #tpu.memory_space<vmem_shared>>
      tpu.enqueue_indirect_dma source(%arg9 : memref<128x64xi32, #tpu.memory_space<vmem>>) target(%dma_start3A_48 : memref<10240x64xi32, #tpu.memory_space<vmem_shared>>) offsets(%dma_start3A_45 : memref<128xi32, #tpu.memory_space<vmem>>) semaphore(%run_scoped3A_42 : memref<!tpu.dma_semaphore, #tpu.memory_space<semaphore_mem>>) {add = true}
      %dma_wait3A_49 = arith.constant 0 : i32
      %dma_wait3A_50 = tpu.memref_slice %arg8[%run_scoped3A, %dma_wait3A_49] : memref<160x128xi32, #tpu.memory_space<vmem>> -> memref<1x128xi32, #tpu.memory_space<vmem>>
      %dma_wait3A_51 = tpu.memref_squeeze %dma_wait3A_50 : memref<1x128xi32, #tpu.memory_space<vmem>> -> memref<128xi32, #tpu.memory_space<vmem>>
      %dma_wait3A_52 = arith.constant 0 : i32
      %dma_wait3A_53 = arith.constant 0 : i32
      %dma_wait3A_54 = tpu.memref_slice %arg11[%dma_wait3A_52, %dma_wait3A_53] : memref<10240x64xi32, #tpu.memory_space<vmem_shared>> -> memref<10240x64xi32, #tpu.memory_space<vmem_shared>>
      tpu.wait_indirect_dma semaphore(%run_scoped3A_42 : memref<!tpu.dma_semaphore, #tpu.memory_space<semaphore_mem>>) src(%arg9 : memref<128x64xi32, #tpu.memory_space<vmem>>) dst(%dma_wait3A_54 : memref<10240x64xi32, #tpu.memory_space<vmem_shared>>)
      tpu.yield
    }) : () -> ()
    %dma_wait3A_26 = arith.constant 159 : i32
    %dma_wait3A_27 = arith.constant 0 : i32
    %dma_wait3A_28 = tpu.memref_slice %arg7[%dma_wait3A_26, %dma_wait3A_27] : memref<160x128xi32, #tpu.memory_space<vmem>> -> memref<1x128xi32, #tpu.memory_space<vmem>>
    %dma_wait3A_29 = tpu.memref_squeeze %dma_wait3A_28 : memref<1x128xi32, #tpu.memory_space<vmem>> -> memref<128xi32, #tpu.memory_space<vmem>>
    %dma_wait3A_30 = arith.constant 0 : i32
    %dma_wait3A_31 = arith.constant 0 : i32
    %dma_wait3A_32 = tpu.memref_slice %arg2[%dma_wait3A_30, %dma_wait3A_31] : memref<20000x64xi32, #tpu.memory_space<hbm>> -> memref<20000x64xi32, #tpu.memory_space<hbm>>
    tpu.wait_indirect_dma semaphore(%arg13 : memref<!tpu.dma_semaphore, #tpu.memory_space<semaphore_mem>>) src(%dma_wait3A_32 : memref<20000x64xi32, #tpu.memory_space<hbm>>) dst(%arg10 : memref<128x64xi32, #tpu.memory_space<vmem>>)
    %run_scoped3A_33 = arith.constant 159 : i32
    "tpu.region"() ({
      %run_scoped3A_42 = tpu.sem_alloc : memref<!tpu.dma_semaphore, #tpu.memory_space<semaphore_mem>>
      %dma_start3A_43 = arith.constant 0 : i32
      %dma_start3A_44 = tpu.memref_slice %arg8[%run_scoped3A_33, %dma_start3A_43] : memref<160x128xi32, #tpu.memory_space<vmem>> -> memref<1x128xi32, #tpu.memory_space<vmem>>
      %dma_start3A_45 = tpu.memref_squeeze %dma_start3A_44 : memref<1x128xi32, #tpu.memory_space<vmem>> -> memref<128xi32, #tpu.memory_space<vmem>>
      %dma_start3A_46 = arith.constant 0 : i32
      %dma_start3A_47 = arith.constant 0 : i32
      %dma_start3A_48 = tpu.memref_slice %arg11[%dma_start3A_46, %dma_start3A_47] : memref<10240x64xi32, #tpu.memory_space<vmem_shared>> -> memref<10240x64xi32, #tpu.memory_space<vmem_shared>>
      tpu.enqueue_indirect_dma source(%arg10 : memref<128x64xi32, #tpu.memory_space<vmem>>) target(%dma_start3A_48 : memref<10240x64xi32, #tpu.memory_space<vmem_shared>>) offsets(%dma_start3A_45 : memref<128xi32, #tpu.memory_space<vmem>>) semaphore(%run_scoped3A_42 : memref<!tpu.dma_semaphore, #tpu.memory_space<semaphore_mem>>) {add = true}
      %dma_wait3A_49 = arith.constant 0 : i32
      %dma_wait3A_50 = tpu.memref_slice %arg8[%run_scoped3A_33, %dma_wait3A_49] : memref<160x128xi32, #tpu.memory_space<vmem>> -> memref<1x128xi32, #tpu.memory_space<vmem>>
      %dma_wait3A_51 = tpu.memref_squeeze %dma_wait3A_50 : memref<1x128xi32, #tpu.memory_space<vmem>> -> memref<128xi32, #tpu.memory_space<vmem>>
      %dma_wait3A_52 = arith.constant 0 : i32
      %dma_wait3A_53 = arith.constant 0 : i32
      %dma_wait3A_54 = tpu.memref_slice %arg11[%dma_wait3A_52, %dma_wait3A_53] : memref<10240x64xi32, #tpu.memory_space<vmem_shared>> -> memref<10240x64xi32, #tpu.memory_space<vmem_shared>>
      tpu.wait_indirect_dma semaphore(%run_scoped3A_42 : memref<!tpu.dma_semaphore, #tpu.memory_space<semaphore_mem>>) src(%arg10 : memref<128x64xi32, #tpu.memory_space<vmem>>) dst(%dma_wait3A_54 : memref<10240x64xi32, #tpu.memory_space<vmem_shared>>)
      tpu.yield
    }) : () -> ()
    %barrier3A_34 = arith.constant 0 : index
    tpu.barrier barrier_id(%barrier3A_34)
    %mul3A_35 = arith.constant 625 : i32
    %mul3A_36 = arith.muli %arg1, %mul3A_35 : i32
    %mul3A_37 = arith.constant 10000 : i32
    %mul3A_38 = arith.muli %arg0, %mul3A_37 : i32
    %mul3A_39 = arith.constant 625 : i32
    %mul3A_40 = arith.muli %arg1, %mul3A_39 : i32
    %add3A_41 = arith.addi %mul3A_38, %mul3A_40 : i32
    "tpu.region"() ({
      %run_scoped3A_42 = tpu.sem_alloc : memref<!tpu.dma_semaphore, #tpu.memory_space<semaphore_mem>>
      %dma_start3A_43 = arith.constant 0 : i32
      %dma_start3A_44 = tpu.memref_slice %arg6[%add3A_41, %dma_start3A_43] : memref<20000x64xi32, #tpu.memory_space<hbm>> -> memref<625x64xi32, #tpu.memory_space<hbm>>
      %dma_start3A_45 = arith.constant 0 : i32
      %dma_start3A_46 = tpu.memref_slice %arg11[%mul3A_36, %dma_start3A_45] : memref<10240x64xi32, #tpu.memory_space<vmem_shared>> -> memref<625x64xi32, #tpu.memory_space<vmem_shared>>
      tpu.enqueue_dma source(%dma_start3A_46 : memref<625x64xi32, #tpu.memory_space<vmem_shared>>) target(%dma_start3A_44 : memref<625x64xi32, #tpu.memory_space<hbm>>) target_semaphore(%run_scoped3A_42 : memref<!tpu.dma_semaphore, #tpu.memory_space<semaphore_mem>>)
      %dma_wait3A_47 = arith.constant 0 : i32
      %dma_wait3A_48 = tpu.memref_slice %arg6[%add3A_41, %dma_wait3A_47] : memref<20000x64xi32, #tpu.memory_space<hbm>> -> memref<625x64xi32, #tpu.memory_space<hbm>>
      %dma_wait3A_49 = arith.constant 0 : i32
      %dma_wait3A_50 = tpu.memref_slice %arg11[%mul3A_36, %dma_wait3A_49] : memref<10240x64xi32, #tpu.memory_space<vmem_shared>> -> memref<625x64xi32, #tpu.memory_space<vmem_shared>>
      tpu.wait_dma2 semaphore(%run_scoped3A_42 : memref<!tpu.dma_semaphore, #tpu.memory_space<semaphore_mem>>) src(%dma_wait3A_50 : memref<625x64xi32, #tpu.memory_space<vmem_shared>>) dst(%dma_wait3A_48 : memref<625x64xi32, #tpu.memory_space<hbm>>)
      tpu.yield
    }) : () -> ()
    return
  }
}

#map = affine_map<(d0, d1) -> (0, 0)>
#map1 = affine_map<(d0, d1) -> (0, 0, 0)>
module attributes {stable_mosaic.version = 14 : i64} {
  func.func @k(%arg0: i32, %arg1: i32, %arg2: memref<20000x64xi32, #tpu.memory_space<hbm>>, %arg3: memref<20000x64xi32, #tpu.memory_space<hbm>>, %arg4: memref<32x160x128xi32, #tpu.memory_space<hbm>>, %arg5: memref<32x160x128xi32, #tpu.memory_space<hbm>>, %arg6: memref<640x64xi32, #tpu.memory_space<hbm>>, %arg7: memref<20000x64xi32, #tpu.memory_space<hbm>>, %arg8: memref<20000x64xi32, #tpu.memory_space<hbm>>, %arg9: memref<160x128xi32, #tpu.memory_space<vmem>>, %arg10: memref<160x128xi32, #tpu.memory_space<vmem>>, %arg11: memref<128x64xi32, #tpu.memory_space<vmem>>, %arg12: memref<128x64xi32, #tpu.memory_space<vmem>>, %arg13: memref<10240x64xi32, #tpu.memory_space<vmem_shared>>, %arg14: memref<!tpu.dma_semaphore, #tpu.memory_space<semaphore_mem>>, %arg15: memref<!tpu.dma_semaphore, #tpu.memory_space<semaphore_mem>>) attributes {dimension_semantics = [#tpu.dimension_semantics<core_parallel>, #tpu.dimension_semantics<subcore_parallel>], iteration_bounds = array<i64: 2, 16>, scalar_prefetch = 0 : i64, scratch_operands = 7 : i64, tpu.core_type = #tpu.core_type<sc_vector_subcore>, window_params = [{transform_indices = #map}, {transform_indices = #map}, {transform_indices = #map1}, {transform_indices = #map1}, {transform_indices = #map}, {transform_indices = #map}, {transform_indices = #map}]} {
    %mul3A = arith.constant 16 : i32
    %mul3A_0 = arith.muli %arg0, %mul3A : i32
    %add3A = arith.addi %mul3A_0, %arg1 : i32
    "tpu.region"() ({
      %run_scoped3A_89 = tpu.sem_alloc : memref<!tpu.dma_semaphore, #tpu.memory_space<semaphore_mem>>
      %dma_start3A_90 = arith.constant 0 : i32
      %dma_start3A_91 = arith.constant 0 : i32
      %dma_start3A_92 = tpu.memref_slice %arg4[%add3A, %dma_start3A_90, %dma_start3A_91] : memref<32x160x128xi32, #tpu.memory_space<hbm>> -> memref<1x160x128xi32, #tpu.memory_space<hbm>>
      %dma_start3A_93 = tpu.memref_squeeze %dma_start3A_92 : memref<1x160x128xi32, #tpu.memory_space<hbm>> -> memref<160x128xi32, #tpu.memory_space<hbm>>
      %dma_start3A_94 = arith.constant 0 : i32
      %dma_start3A_95 = arith.constant 0 : i32
      %dma_start3A_96 = tpu.memref_slice %arg4[%add3A, %dma_start3A_94, %dma_start3A_95] : memref<32x160x128xi32, #tpu.memory_space<hbm>> -> memref<1x160x128xi32, #tpu.memory_space<hbm>>
      %dma_start3A_97 = tpu.memref_squeeze %dma_start3A_96 : memref<1x160x128xi32, #tpu.memory_space<hbm>> -> memref<160x128xi32, #tpu.memory_space<hbm>>
      tpu.enqueue_dma source(%dma_start3A_97 : memref<160x128xi32, #tpu.memory_space<hbm>>) target(%arg9 : memref<160x128xi32, #tpu.memory_space<vmem>>) target_semaphore(%run_scoped3A_89 : memref<!tpu.dma_semaphore, #tpu.memory_space<semaphore_mem>>)
      %dma_wait3A_98 = arith.constant 0 : i32
      %dma_wait3A_99 = arith.constant 0 : i32
      %dma_wait3A_100 = tpu.memref_slice %arg4[%add3A, %dma_wait3A_98, %dma_wait3A_99] : memref<32x160x128xi32, #tpu.memory_space<hbm>> -> memref<1x160x128xi32, #tpu.memory_space<hbm>>
      %dma_wait3A_101 = tpu.memref_squeeze %dma_wait3A_100 : memref<1x160x128xi32, #tpu.memory_space<hbm>> -> memref<160x128xi32, #tpu.memory_space<hbm>>
      %dma_wait3A_102 = arith.constant 0 : i32
      %dma_wait3A_103 = arith.constant 0 : i32
      %dma_wait3A_104 = tpu.memref_slice %arg4[%add3A, %dma_wait3A_102, %dma_wait3A_103] : memref<32x160x128xi32, #tpu.memory_space<hbm>> -> memref<1x160x128xi32, #tpu.memory_space<hbm>>
      %dma_wait3A_105 = tpu.memref_squeeze %dma_wait3A_104 : memref<1x160x128xi32, #tpu.memory_space<hbm>> -> memref<160x128xi32, #tpu.memory_space<hbm>>
      tpu.wait_dma2 semaphore(%run_scoped3A_89 : memref<!tpu.dma_semaphore, #tpu.memory_space<semaphore_mem>>) src(%dma_wait3A_105 : memref<160x128xi32, #tpu.memory_space<hbm>>) dst(%arg9 : memref<160x128xi32, #tpu.memory_space<vmem>>)
      tpu.yield
    }) : () -> ()
    "tpu.region"() ({
      %run_scoped3A_89 = tpu.sem_alloc : memref<!tpu.dma_semaphore, #tpu.memory_space<semaphore_mem>>
      %dma_start3A_90 = arith.constant 0 : i32
      %dma_start3A_91 = arith.constant 0 : i32
      %dma_start3A_92 = tpu.memref_slice %arg5[%add3A, %dma_start3A_90, %dma_start3A_91] : memref<32x160x128xi32, #tpu.memory_space<hbm>> -> memref<1x160x128xi32, #tpu.memory_space<hbm>>
      %dma_start3A_93 = tpu.memref_squeeze %dma_start3A_92 : memref<1x160x128xi32, #tpu.memory_space<hbm>> -> memref<160x128xi32, #tpu.memory_space<hbm>>
      %dma_start3A_94 = arith.constant 0 : i32
      %dma_start3A_95 = arith.constant 0 : i32
      %dma_start3A_96 = tpu.memref_slice %arg5[%add3A, %dma_start3A_94, %dma_start3A_95] : memref<32x160x128xi32, #tpu.memory_space<hbm>> -> memref<1x160x128xi32, #tpu.memory_space<hbm>>
      %dma_start3A_97 = tpu.memref_squeeze %dma_start3A_96 : memref<1x160x128xi32, #tpu.memory_space<hbm>> -> memref<160x128xi32, #tpu.memory_space<hbm>>
      tpu.enqueue_dma source(%dma_start3A_97 : memref<160x128xi32, #tpu.memory_space<hbm>>) target(%arg10 : memref<160x128xi32, #tpu.memory_space<vmem>>) target_semaphore(%run_scoped3A_89 : memref<!tpu.dma_semaphore, #tpu.memory_space<semaphore_mem>>)
      %dma_wait3A_98 = arith.constant 0 : i32
      %dma_wait3A_99 = arith.constant 0 : i32
      %dma_wait3A_100 = tpu.memref_slice %arg5[%add3A, %dma_wait3A_98, %dma_wait3A_99] : memref<32x160x128xi32, #tpu.memory_space<hbm>> -> memref<1x160x128xi32, #tpu.memory_space<hbm>>
      %dma_wait3A_101 = tpu.memref_squeeze %dma_wait3A_100 : memref<1x160x128xi32, #tpu.memory_space<hbm>> -> memref<160x128xi32, #tpu.memory_space<hbm>>
      %dma_wait3A_102 = arith.constant 0 : i32
      %dma_wait3A_103 = arith.constant 0 : i32
      %dma_wait3A_104 = tpu.memref_slice %arg5[%add3A, %dma_wait3A_102, %dma_wait3A_103] : memref<32x160x128xi32, #tpu.memory_space<hbm>> -> memref<1x160x128xi32, #tpu.memory_space<hbm>>
      %dma_wait3A_105 = tpu.memref_squeeze %dma_wait3A_104 : memref<1x160x128xi32, #tpu.memory_space<hbm>> -> memref<160x128xi32, #tpu.memory_space<hbm>>
      tpu.wait_dma2 semaphore(%run_scoped3A_89 : memref<!tpu.dma_semaphore, #tpu.memory_space<semaphore_mem>>) src(%dma_wait3A_105 : memref<160x128xi32, #tpu.memory_space<hbm>>) dst(%arg10 : memref<160x128xi32, #tpu.memory_space<vmem>>)
      tpu.yield
    }) : () -> ()
    %mul3A_1 = arith.constant 640 : i32
    %mul3A_2 = arith.muli %arg1, %mul3A_1 : i32
    "tpu.region"() ({
      %run_scoped3A_89 = tpu.sem_alloc : memref<!tpu.dma_semaphore, #tpu.memory_space<semaphore_mem>>
      %dma_start3A_90 = arith.constant 0 : i32
      %dma_start3A_91 = tpu.memref_slice %arg13[%mul3A_2, %dma_start3A_90] : memref<10240x64xi32, #tpu.memory_space<vmem_shared>> -> memref<640x64xi32, #tpu.memory_space<vmem_shared>>
      tpu.enqueue_dma source(%arg6 : memref<640x64xi32, #tpu.memory_space<hbm>>) target(%dma_start3A_91 : memref<640x64xi32, #tpu.memory_space<vmem_shared>>) target_semaphore(%run_scoped3A_89 : memref<!tpu.dma_semaphore, #tpu.memory_space<semaphore_mem>>)
      %dma_wait3A_92 = arith.constant 0 : i32
      %dma_wait3A_93 = tpu.memref_slice %arg13[%mul3A_2, %dma_wait3A_92] : memref<10240x64xi32, #tpu.memory_space<vmem_shared>> -> memref<640x64xi32, #tpu.memory_space<vmem_shared>>
      tpu.wait_dma2 semaphore(%run_scoped3A_89 : memref<!tpu.dma_semaphore, #tpu.memory_space<semaphore_mem>>) src(%arg6 : memref<640x64xi32, #tpu.memory_space<hbm>>) dst(%dma_wait3A_93 : memref<640x64xi32, #tpu.memory_space<vmem_shared>>)
      tpu.yield
    }) : () -> ()
    %barrier3A = arith.constant 0 : index
    tpu.barrier barrier_id(%barrier3A)
    %dma_start3A = arith.constant 0 : i32
    %dma_start3A_3 = arith.constant 0 : i32
    %dma_start3A_4 = tpu.memref_slice %arg9[%dma_start3A, %dma_start3A_3] : memref<160x128xi32, #tpu.memory_space<vmem>> -> memref<1x128xi32, #tpu.memory_space<vmem>>
    %dma_start3A_5 = tpu.memref_squeeze %dma_start3A_4 : memref<1x128xi32, #tpu.memory_space<vmem>> -> memref<128xi32, #tpu.memory_space<vmem>>
    %dma_start3A_6 = arith.constant 0 : i32
    %dma_start3A_7 = arith.constant 0 : i32
    %dma_start3A_8 = tpu.memref_slice %arg2[%dma_start3A_6, %dma_start3A_7] : memref<20000x64xi32, #tpu.memory_space<hbm>> -> memref<20000x64xi32, #tpu.memory_space<hbm>>
    tpu.enqueue_indirect_dma source(%dma_start3A_8 : memref<20000x64xi32, #tpu.memory_space<hbm>>) target(%arg11 : memref<128x64xi32, #tpu.memory_space<vmem>>) offsets(%dma_start3A_5 : memref<128xi32, #tpu.memory_space<vmem>>) semaphore(%arg14 : memref<!tpu.dma_semaphore, #tpu.memory_space<semaphore_mem>>)
    %scan3A = arith.constant 0 : i32
    %scan3A_9 = arith.constant 79 : i32
    %scan3A_10 = arith.addi %scan3A, %scan3A_9 : i32
    %scan3A_11 = arith.constant 1 : i32
    scf.for %scan3A_89 = %scan3A to %scan3A_10 step %scan3A_11  : i32 {
      %mul3A_90 = arith.constant 2 : i32
      %mul3A_91 = arith.muli %scan3A_89, %mul3A_90 : i32
      %add3A_92 = arith.constant 0 : i32
      %add3A_93 = arith.addi %add3A_92, %mul3A_91 : i32
      %add3A_94 = arith.constant 1 : i32
      %add3A_95 = arith.addi %add3A_93, %add3A_94 : i32
      %dma_start3A_96 = arith.constant 0 : i32
      %dma_start3A_97 = tpu.memref_slice %arg9[%add3A_95, %dma_start3A_96] : memref<160x128xi32, #tpu.memory_space<vmem>> -> memref<1x128xi32, #tpu.memory_space<vmem>>
      %dma_start3A_98 = tpu.memref_squeeze %dma_start3A_97 : memref<1x128xi32, #tpu.memory_space<vmem>> -> memref<128xi32, #tpu.memory_space<vmem>>
      %dma_start3A_99 = arith.constant 0 : i32
      %dma_start3A_100 = arith.constant 0 : i32
      %dma_start3A_101 = tpu.memref_slice %arg2[%dma_start3A_99, %dma_start3A_100] : memref<20000x64xi32, #tpu.memory_space<hbm>> -> memref<20000x64xi32, #tpu.memory_space<hbm>>
      tpu.enqueue_indirect_dma source(%dma_start3A_101 : memref<20000x64xi32, #tpu.memory_space<hbm>>) target(%arg12 : memref<128x64xi32, #tpu.memory_space<vmem>>) offsets(%dma_start3A_98 : memref<128xi32, #tpu.memory_space<vmem>>) semaphore(%arg15 : memref<!tpu.dma_semaphore, #tpu.memory_space<semaphore_mem>>)
      %dma_wait3A_102 = arith.constant 0 : i32
      %dma_wait3A_103 = tpu.memref_slice %arg9[%add3A_93, %dma_wait3A_102] : memref<160x128xi32, #tpu.memory_space<vmem>> -> memref<1x128xi32, #tpu.memory_space<vmem>>
      %dma_wait3A_104 = tpu.memref_squeeze %dma_wait3A_103 : memref<1x128xi32, #tpu.memory_space<vmem>> -> memref<128xi32, #tpu.memory_space<vmem>>
      %dma_wait3A_105 = arith.constant 0 : i32
      %dma_wait3A_106 = arith.constant 0 : i32
      %dma_wait3A_107 = tpu.memref_slice %arg2[%dma_wait3A_105, %dma_wait3A_106] : memref<20000x64xi32, #tpu.memory_space<hbm>> -> memref<20000x64xi32, #tpu.memory_space<hbm>>
      tpu.wait_indirect_dma semaphore(%arg14 : memref<!tpu.dma_semaphore, #tpu.memory_space<semaphore_mem>>) src(%dma_wait3A_107 : memref<20000x64xi32, #tpu.memory_space<hbm>>) dst(%arg11 : memref<128x64xi32, #tpu.memory_space<vmem>>)
      "tpu.region"() ({
        %run_scoped3A_126 = tpu.sem_alloc : memref<!tpu.dma_semaphore, #tpu.memory_space<semaphore_mem>>
        %dma_start3A_127 = arith.constant 0 : i32
        %dma_start3A_128 = tpu.memref_slice %arg10[%add3A_93, %dma_start3A_127] : memref<160x128xi32, #tpu.memory_space<vmem>> -> memref<1x128xi32, #tpu.memory_space<vmem>>
        %dma_start3A_129 = tpu.memref_squeeze %dma_start3A_128 : memref<1x128xi32, #tpu.memory_space<vmem>> -> memref<128xi32, #tpu.memory_space<vmem>>
        %dma_start3A_130 = arith.constant 0 : i32
        %dma_start3A_131 = arith.constant 0 : i32
        %dma_start3A_132 = tpu.memref_slice %arg13[%dma_start3A_130, %dma_start3A_131] : memref<10240x64xi32, #tpu.memory_space<vmem_shared>> -> memref<10240x64xi32, #tpu.memory_space<vmem_shared>>
        tpu.enqueue_indirect_dma source(%arg11 : memref<128x64xi32, #tpu.memory_space<vmem>>) target(%dma_start3A_132 : memref<10240x64xi32, #tpu.memory_space<vmem_shared>>) offsets(%dma_start3A_129 : memref<128xi32, #tpu.memory_space<vmem>>) semaphore(%run_scoped3A_126 : memref<!tpu.dma_semaphore, #tpu.memory_space<semaphore_mem>>) {add = true}
        %dma_wait3A_133 = arith.constant 0 : i32
        %dma_wait3A_134 = tpu.memref_slice %arg10[%add3A_93, %dma_wait3A_133] : memref<160x128xi32, #tpu.memory_space<vmem>> -> memref<1x128xi32, #tpu.memory_space<vmem>>
        %dma_wait3A_135 = tpu.memref_squeeze %dma_wait3A_134 : memref<1x128xi32, #tpu.memory_space<vmem>> -> memref<128xi32, #tpu.memory_space<vmem>>
        %dma_wait3A_136 = arith.constant 0 : i32
        %dma_wait3A_137 = arith.constant 0 : i32
        %dma_wait3A_138 = tpu.memref_slice %arg13[%dma_wait3A_136, %dma_wait3A_137] : memref<10240x64xi32, #tpu.memory_space<vmem_shared>> -> memref<10240x64xi32, #tpu.memory_space<vmem_shared>>
        tpu.wait_indirect_dma semaphore(%run_scoped3A_126 : memref<!tpu.dma_semaphore, #tpu.memory_space<semaphore_mem>>) src(%arg11 : memref<128x64xi32, #tpu.memory_space<vmem>>) dst(%dma_wait3A_138 : memref<10240x64xi32, #tpu.memory_space<vmem_shared>>)
        tpu.yield
      }) : () -> ()
      %add3A_108 = arith.constant 2 : i32
      %add3A_109 = arith.addi %add3A_93, %add3A_108 : i32
      %dma_start3A_110 = arith.constant 0 : i32
      %dma_start3A_111 = tpu.memref_slice %arg9[%add3A_109, %dma_start3A_110] : memref<160x128xi32, #tpu.memory_space<vmem>> -> memref<1x128xi32, #tpu.memory_space<vmem>>
      %dma_start3A_112 = tpu.memref_squeeze %dma_start3A_111 : memref<1x128xi32, #tpu.memory_space<vmem>> -> memref<128xi32, #tpu.memory_space<vmem>>
      %dma_start3A_113 = arith.constant 0 : i32
      %dma_start3A_114 = arith.constant 0 : i32
      %dma_start3A_115 = tpu.memref_slice %arg2[%dma_start3A_113, %dma_start3A_114] : memref<20000x64xi32, #tpu.memory_space<hbm>> -> memref<20000x64xi32, #tpu.memory_space<hbm>>
      tpu.enqueue_indirect_dma source(%dma_start3A_115 : memref<20000x64xi32, #tpu.memory_space<hbm>>) target(%arg11 : memref<128x64xi32, #tpu.memory_space<vmem>>) offsets(%dma_start3A_112 : memref<128xi32, #tpu.memory_space<vmem>>) semaphore(%arg14 : memref<!tpu.dma_semaphore, #tpu.memory_space<semaphore_mem>>)
      %add3A_116 = arith.constant 1 : i32
      %add3A_117 = arith.addi %add3A_93, %add3A_116 : i32
      %dma_wait3A_118 = arith.constant 0 : i32
      %dma_wait3A_119 = tpu.memref_slice %arg9[%add3A_117, %dma_wait3A_118] : memref<160x128xi32, #tpu.memory_space<vmem>> -> memref<1x128xi32, #tpu.memory_space<vmem>>
      %dma_wait3A_120 = tpu.memref_squeeze %dma_wait3A_119 : memref<1x128xi32, #tpu.memory_space<vmem>> -> memref<128xi32, #tpu.memory_space<vmem>>
      %dma_wait3A_121 = arith.constant 0 : i32
      %dma_wait3A_122 = arith.constant 0 : i32
      %dma_wait3A_123 = tpu.memref_slice %arg2[%dma_wait3A_121, %dma_wait3A_122] : memref<20000x64xi32, #tpu.memory_space<hbm>> -> memref<20000x64xi32, #tpu.memory_space<hbm>>
      tpu.wait_indirect_dma semaphore(%arg15 : memref<!tpu.dma_semaphore, #tpu.memory_space<semaphore_mem>>) src(%dma_wait3A_123 : memref<20000x64xi32, #tpu.memory_space<hbm>>) dst(%arg12 : memref<128x64xi32, #tpu.memory_space<vmem>>)
      %add3A_124 = arith.constant 1 : i32
      %add3A_125 = arith.addi %add3A_93, %add3A_124 : i32
      "tpu.region"() ({
        %run_scoped3A_126 = tpu.sem_alloc : memref<!tpu.dma_semaphore, #tpu.memory_space<semaphore_mem>>
        %dma_start3A_127 = arith.constant 0 : i32
        %dma_start3A_128 = tpu.memref_slice %arg10[%add3A_125, %dma_start3A_127] : memref<160x128xi32, #tpu.memory_space<vmem>> -> memref<1x128xi32, #tpu.memory_space<vmem>>
        %dma_start3A_129 = tpu.memref_squeeze %dma_start3A_128 : memref<1x128xi32, #tpu.memory_space<vmem>> -> memref<128xi32, #tpu.memory_space<vmem>>
        %dma_start3A_130 = arith.constant 0 : i32
        %dma_start3A_131 = arith.constant 0 : i32
        %dma_start3A_132 = tpu.memref_slice %arg13[%dma_start3A_130, %dma_start3A_131] : memref<10240x64xi32, #tpu.memory_space<vmem_shared>> -> memref<10240x64xi32, #tpu.memory_space<vmem_shared>>
        tpu.enqueue_indirect_dma source(%arg12 : memref<128x64xi32, #tpu.memory_space<vmem>>) target(%dma_start3A_132 : memref<10240x64xi32, #tpu.memory_space<vmem_shared>>) offsets(%dma_start3A_129 : memref<128xi32, #tpu.memory_space<vmem>>) semaphore(%run_scoped3A_126 : memref<!tpu.dma_semaphore, #tpu.memory_space<semaphore_mem>>) {add = true}
        %dma_wait3A_133 = arith.constant 0 : i32
        %dma_wait3A_134 = tpu.memref_slice %arg10[%add3A_125, %dma_wait3A_133] : memref<160x128xi32, #tpu.memory_space<vmem>> -> memref<1x128xi32, #tpu.memory_space<vmem>>
        %dma_wait3A_135 = tpu.memref_squeeze %dma_wait3A_134 : memref<1x128xi32, #tpu.memory_space<vmem>> -> memref<128xi32, #tpu.memory_space<vmem>>
        %dma_wait3A_136 = arith.constant 0 : i32
        %dma_wait3A_137 = arith.constant 0 : i32
        %dma_wait3A_138 = tpu.memref_slice %arg13[%dma_wait3A_136, %dma_wait3A_137] : memref<10240x64xi32, #tpu.memory_space<vmem_shared>> -> memref<10240x64xi32, #tpu.memory_space<vmem_shared>>
        tpu.wait_indirect_dma semaphore(%run_scoped3A_126 : memref<!tpu.dma_semaphore, #tpu.memory_space<semaphore_mem>>) src(%arg12 : memref<128x64xi32, #tpu.memory_space<vmem>>) dst(%dma_wait3A_138 : memref<10240x64xi32, #tpu.memory_space<vmem_shared>>)
        tpu.yield
      }) : () -> ()
    }
    %scan3A_12 = arith.constant 79 : i32
    %dma_start3A_13 = arith.constant 159 : i32
    %dma_start3A_14 = arith.constant 0 : i32
    %dma_start3A_15 = tpu.memref_slice %arg9[%dma_start3A_13, %dma_start3A_14] : memref<160x128xi32, #tpu.memory_space<vmem>> -> memref<1x128xi32, #tpu.memory_space<vmem>>
    %dma_start3A_16 = tpu.memref_squeeze %dma_start3A_15 : memref<1x128xi32, #tpu.memory_space<vmem>> -> memref<128xi32, #tpu.memory_space<vmem>>
    %dma_start3A_17 = arith.constant 0 : i32
    %dma_start3A_18 = arith.constant 0 : i32
    %dma_start3A_19 = tpu.memref_slice %arg2[%dma_start3A_17, %dma_start3A_18] : memref<20000x64xi32, #tpu.memory_space<hbm>> -> memref<20000x64xi32, #tpu.memory_space<hbm>>
    tpu.enqueue_indirect_dma source(%dma_start3A_19 : memref<20000x64xi32, #tpu.memory_space<hbm>>) target(%arg12 : memref<128x64xi32, #tpu.memory_space<vmem>>) offsets(%dma_start3A_16 : memref<128xi32, #tpu.memory_space<vmem>>) semaphore(%arg15 : memref<!tpu.dma_semaphore, #tpu.memory_space<semaphore_mem>>)
    %dma_wait3A = arith.constant 158 : i32
    %dma_wait3A_20 = arith.constant 0 : i32
    %dma_wait3A_21 = tpu.memref_slice %arg9[%dma_wait3A, %dma_wait3A_20] : memref<160x128xi32, #tpu.memory_space<vmem>> -> memref<1x128xi32, #tpu.memory_space<vmem>>
    %dma_wait3A_22 = tpu.memref_squeeze %dma_wait3A_21 : memref<1x128xi32, #tpu.memory_space<vmem>> -> memref<128xi32, #tpu.memory_space<vmem>>
    %dma_wait3A_23 = arith.constant 0 : i32
    %dma_wait3A_24 = arith.constant 0 : i32
    %dma_wait3A_25 = tpu.memref_slice %arg2[%dma_wait3A_23, %dma_wait3A_24] : memref<20000x64xi32, #tpu.memory_space<hbm>> -> memref<20000x64xi32, #tpu.memory_space<hbm>>
    tpu.wait_indirect_dma semaphore(%arg14 : memref<!tpu.dma_semaphore, #tpu.memory_space<semaphore_mem>>) src(%dma_wait3A_25 : memref<20000x64xi32, #tpu.memory_space<hbm>>) dst(%arg11 : memref<128x64xi32, #tpu.memory_space<vmem>>)
    %run_scoped3A = arith.constant 158 : i32
    "tpu.region"() ({
      %run_scoped3A_89 = tpu.sem_alloc : memref<!tpu.dma_semaphore, #tpu.memory_space<semaphore_mem>>
      %dma_start3A_90 = arith.constant 0 : i32
      %dma_start3A_91 = tpu.memref_slice %arg10[%run_scoped3A, %dma_start3A_90] : memref<160x128xi32, #tpu.memory_space<vmem>> -> memref<1x128xi32, #tpu.memory_space<vmem>>
      %dma_start3A_92 = tpu.memref_squeeze %dma_start3A_91 : memref<1x128xi32, #tpu.memory_space<vmem>> -> memref<128xi32, #tpu.memory_space<vmem>>
      %dma_start3A_93 = arith.constant 0 : i32
      %dma_start3A_94 = arith.constant 0 : i32
      %dma_start3A_95 = tpu.memref_slice %arg13[%dma_start3A_93, %dma_start3A_94] : memref<10240x64xi32, #tpu.memory_space<vmem_shared>> -> memref<10240x64xi32, #tpu.memory_space<vmem_shared>>
      tpu.enqueue_indirect_dma source(%arg11 : memref<128x64xi32, #tpu.memory_space<vmem>>) target(%dma_start3A_95 : memref<10240x64xi32, #tpu.memory_space<vmem_shared>>) offsets(%dma_start3A_92 : memref<128xi32, #tpu.memory_space<vmem>>) semaphore(%run_scoped3A_89 : memref<!tpu.dma_semaphore, #tpu.memory_space<semaphore_mem>>) {add = true}
      %dma_wait3A_96 = arith.constant 0 : i32
      %dma_wait3A_97 = tpu.memref_slice %arg10[%run_scoped3A, %dma_wait3A_96] : memref<160x128xi32, #tpu.memory_space<vmem>> -> memref<1x128xi32, #tpu.memory_space<vmem>>
      %dma_wait3A_98 = tpu.memref_squeeze %dma_wait3A_97 : memref<1x128xi32, #tpu.memory_space<vmem>> -> memref<128xi32, #tpu.memory_space<vmem>>
      %dma_wait3A_99 = arith.constant 0 : i32
      %dma_wait3A_100 = arith.constant 0 : i32
      %dma_wait3A_101 = tpu.memref_slice %arg13[%dma_wait3A_99, %dma_wait3A_100] : memref<10240x64xi32, #tpu.memory_space<vmem_shared>> -> memref<10240x64xi32, #tpu.memory_space<vmem_shared>>
      tpu.wait_indirect_dma semaphore(%run_scoped3A_89 : memref<!tpu.dma_semaphore, #tpu.memory_space<semaphore_mem>>) src(%arg11 : memref<128x64xi32, #tpu.memory_space<vmem>>) dst(%dma_wait3A_101 : memref<10240x64xi32, #tpu.memory_space<vmem_shared>>)
      tpu.yield
    }) : () -> ()
    %dma_wait3A_26 = arith.constant 159 : i32
    %dma_wait3A_27 = arith.constant 0 : i32
    %dma_wait3A_28 = tpu.memref_slice %arg9[%dma_wait3A_26, %dma_wait3A_27] : memref<160x128xi32, #tpu.memory_space<vmem>> -> memref<1x128xi32, #tpu.memory_space<vmem>>
    %dma_wait3A_29 = tpu.memref_squeeze %dma_wait3A_28 : memref<1x128xi32, #tpu.memory_space<vmem>> -> memref<128xi32, #tpu.memory_space<vmem>>
    %dma_wait3A_30 = arith.constant 0 : i32
    %dma_wait3A_31 = arith.constant 0 : i32
    %dma_wait3A_32 = tpu.memref_slice %arg2[%dma_wait3A_30, %dma_wait3A_31] : memref<20000x64xi32, #tpu.memory_space<hbm>> -> memref<20000x64xi32, #tpu.memory_space<hbm>>
    tpu.wait_indirect_dma semaphore(%arg15 : memref<!tpu.dma_semaphore, #tpu.memory_space<semaphore_mem>>) src(%dma_wait3A_32 : memref<20000x64xi32, #tpu.memory_space<hbm>>) dst(%arg12 : memref<128x64xi32, #tpu.memory_space<vmem>>)
    %run_scoped3A_33 = arith.constant 159 : i32
    "tpu.region"() ({
      %run_scoped3A_89 = tpu.sem_alloc : memref<!tpu.dma_semaphore, #tpu.memory_space<semaphore_mem>>
      %dma_start3A_90 = arith.constant 0 : i32
      %dma_start3A_91 = tpu.memref_slice %arg10[%run_scoped3A_33, %dma_start3A_90] : memref<160x128xi32, #tpu.memory_space<vmem>> -> memref<1x128xi32, #tpu.memory_space<vmem>>
      %dma_start3A_92 = tpu.memref_squeeze %dma_start3A_91 : memref<1x128xi32, #tpu.memory_space<vmem>> -> memref<128xi32, #tpu.memory_space<vmem>>
      %dma_start3A_93 = arith.constant 0 : i32
      %dma_start3A_94 = arith.constant 0 : i32
      %dma_start3A_95 = tpu.memref_slice %arg13[%dma_start3A_93, %dma_start3A_94] : memref<10240x64xi32, #tpu.memory_space<vmem_shared>> -> memref<10240x64xi32, #tpu.memory_space<vmem_shared>>
      tpu.enqueue_indirect_dma source(%arg12 : memref<128x64xi32, #tpu.memory_space<vmem>>) target(%dma_start3A_95 : memref<10240x64xi32, #tpu.memory_space<vmem_shared>>) offsets(%dma_start3A_92 : memref<128xi32, #tpu.memory_space<vmem>>) semaphore(%run_scoped3A_89 : memref<!tpu.dma_semaphore, #tpu.memory_space<semaphore_mem>>) {add = true}
      %dma_wait3A_96 = arith.constant 0 : i32
      %dma_wait3A_97 = tpu.memref_slice %arg10[%run_scoped3A_33, %dma_wait3A_96] : memref<160x128xi32, #tpu.memory_space<vmem>> -> memref<1x128xi32, #tpu.memory_space<vmem>>
      %dma_wait3A_98 = tpu.memref_squeeze %dma_wait3A_97 : memref<1x128xi32, #tpu.memory_space<vmem>> -> memref<128xi32, #tpu.memory_space<vmem>>
      %dma_wait3A_99 = arith.constant 0 : i32
      %dma_wait3A_100 = arith.constant 0 : i32
      %dma_wait3A_101 = tpu.memref_slice %arg13[%dma_wait3A_99, %dma_wait3A_100] : memref<10240x64xi32, #tpu.memory_space<vmem_shared>> -> memref<10240x64xi32, #tpu.memory_space<vmem_shared>>
      tpu.wait_indirect_dma semaphore(%run_scoped3A_89 : memref<!tpu.dma_semaphore, #tpu.memory_space<semaphore_mem>>) src(%arg12 : memref<128x64xi32, #tpu.memory_space<vmem>>) dst(%dma_wait3A_101 : memref<10240x64xi32, #tpu.memory_space<vmem_shared>>)
      tpu.yield
    }) : () -> ()
    %barrier3A_34 = arith.constant 0 : index
    tpu.barrier barrier_id(%barrier3A_34)
    %mul3A_35 = arith.constant 625 : i32
    %mul3A_36 = arith.muli %arg1, %mul3A_35 : i32
    %mul3A_37 = arith.constant 10000 : i32
    %mul3A_38 = arith.muli %arg0, %mul3A_37 : i32
    %mul3A_39 = arith.constant 625 : i32
    %mul3A_40 = arith.muli %arg1, %mul3A_39 : i32
    %add3A_41 = arith.addi %mul3A_38, %mul3A_40 : i32
    "tpu.region"() ({
      %run_scoped3A_89 = tpu.sem_alloc : memref<!tpu.dma_semaphore, #tpu.memory_space<semaphore_mem>>
      %dma_start3A_90 = arith.constant 0 : i32
      %dma_start3A_91 = tpu.memref_slice %arg7[%add3A_41, %dma_start3A_90] : memref<20000x64xi32, #tpu.memory_space<hbm>> -> memref<625x64xi32, #tpu.memory_space<hbm>>
      %dma_start3A_92 = arith.constant 0 : i32
      %dma_start3A_93 = tpu.memref_slice %arg13[%mul3A_36, %dma_start3A_92] : memref<10240x64xi32, #tpu.memory_space<vmem_shared>> -> memref<625x64xi32, #tpu.memory_space<vmem_shared>>
      tpu.enqueue_dma source(%dma_start3A_93 : memref<625x64xi32, #tpu.memory_space<vmem_shared>>) target(%dma_start3A_91 : memref<625x64xi32, #tpu.memory_space<hbm>>) target_semaphore(%run_scoped3A_89 : memref<!tpu.dma_semaphore, #tpu.memory_space<semaphore_mem>>)
      %dma_wait3A_94 = arith.constant 0 : i32
      %dma_wait3A_95 = tpu.memref_slice %arg7[%add3A_41, %dma_wait3A_94] : memref<20000x64xi32, #tpu.memory_space<hbm>> -> memref<625x64xi32, #tpu.memory_space<hbm>>
      %dma_wait3A_96 = arith.constant 0 : i32
      %dma_wait3A_97 = tpu.memref_slice %arg13[%mul3A_36, %dma_wait3A_96] : memref<10240x64xi32, #tpu.memory_space<vmem_shared>> -> memref<625x64xi32, #tpu.memory_space<vmem_shared>>
      tpu.wait_dma2 semaphore(%run_scoped3A_89 : memref<!tpu.dma_semaphore, #tpu.memory_space<semaphore_mem>>) src(%dma_wait3A_97 : memref<625x64xi32, #tpu.memory_space<vmem_shared>>) dst(%dma_wait3A_95 : memref<625x64xi32, #tpu.memory_space<hbm>>)
      tpu.yield
    }) : () -> ()
    %barrier3A_42 = arith.constant 0 : index
    tpu.barrier barrier_id(%barrier3A_42)
    %mul3A_43 = arith.constant 640 : i32
    %mul3A_44 = arith.muli %arg1, %mul3A_43 : i32
    "tpu.region"() ({
      %run_scoped3A_89 = tpu.sem_alloc : memref<!tpu.dma_semaphore, #tpu.memory_space<semaphore_mem>>
      %dma_start3A_90 = arith.constant 0 : i32
      %dma_start3A_91 = tpu.memref_slice %arg13[%mul3A_44, %dma_start3A_90] : memref<10240x64xi32, #tpu.memory_space<vmem_shared>> -> memref<640x64xi32, #tpu.memory_space<vmem_shared>>
      tpu.enqueue_dma source(%arg6 : memref<640x64xi32, #tpu.memory_space<hbm>>) target(%dma_start3A_91 : memref<640x64xi32, #tpu.memory_space<vmem_shared>>) target_semaphore(%run_scoped3A_89 : memref<!tpu.dma_semaphore, #tpu.memory_space<semaphore_mem>>)
      %dma_wait3A_92 = arith.constant 0 : i32
      %dma_wait3A_93 = tpu.memref_slice %arg13[%mul3A_44, %dma_wait3A_92] : memref<10240x64xi32, #tpu.memory_space<vmem_shared>> -> memref<640x64xi32, #tpu.memory_space<vmem_shared>>
      tpu.wait_dma2 semaphore(%run_scoped3A_89 : memref<!tpu.dma_semaphore, #tpu.memory_space<semaphore_mem>>) src(%arg6 : memref<640x64xi32, #tpu.memory_space<hbm>>) dst(%dma_wait3A_93 : memref<640x64xi32, #tpu.memory_space<vmem_shared>>)
      tpu.yield
    }) : () -> ()
    %barrier3A_45 = arith.constant 0 : index
    tpu.barrier barrier_id(%barrier3A_45)
    %dma_start3A_46 = arith.constant 0 : i32
    %dma_start3A_47 = arith.constant 0 : i32
    %dma_start3A_48 = tpu.memref_slice %arg9[%dma_start3A_46, %dma_start3A_47] : memref<160x128xi32, #tpu.memory_space<vmem>> -> memref<1x128xi32, #tpu.memory_space<vmem>>
    %dma_start3A_49 = tpu.memref_squeeze %dma_start3A_48 : memref<1x128xi32, #tpu.memory_space<vmem>> -> memref<128xi32, #tpu.memory_space<vmem>>
    %dma_start3A_50 = arith.constant 0 : i32
    %dma_start3A_51 = arith.constant 0 : i32
    %dma_start3A_52 = tpu.memref_slice %arg3[%dma_start3A_50, %dma_start3A_51] : memref<20000x64xi32, #tpu.memory_space<hbm>> -> memref<20000x64xi32, #tpu.memory_space<hbm>>
    tpu.enqueue_indirect_dma source(%dma_start3A_52 : memref<20000x64xi32, #tpu.memory_space<hbm>>) target(%arg11 : memref<128x64xi32, #tpu.memory_space<vmem>>) offsets(%dma_start3A_49 : memref<128xi32, #tpu.memory_space<vmem>>) semaphore(%arg14 : memref<!tpu.dma_semaphore, #tpu.memory_space<semaphore_mem>>)
    %scan3A_53 = arith.constant 0 : i32
    %scan3A_54 = arith.constant 79 : i32
    %scan3A_55 = arith.addi %scan3A_53, %scan3A_54 : i32
    %scan3A_56 = arith.constant 1 : i32
    scf.for %scan3A_89 = %scan3A_53 to %scan3A_55 step %scan3A_56  : i32 {
      %mul3A_90 = arith.constant 2 : i32
      %mul3A_91 = arith.muli %scan3A_89, %mul3A_90 : i32
      %add3A_92 = arith.constant 0 : i32
      %add3A_93 = arith.addi %add3A_92, %mul3A_91 : i32
      %add3A_94 = arith.constant 1 : i32
      %add3A_95 = arith.addi %add3A_93, %add3A_94 : i32
      %dma_start3A_96 = arith.constant 0 : i32
      %dma_start3A_97 = tpu.memref_slice %arg9[%add3A_95, %dma_start3A_96] : memref<160x128xi32, #tpu.memory_space<vmem>> -> memref<1x128xi32, #tpu.memory_space<vmem>>
      %dma_start3A_98 = tpu.memref_squeeze %dma_start3A_97 : memref<1x128xi32, #tpu.memory_space<vmem>> -> memref<128xi32, #tpu.memory_space<vmem>>
      %dma_start3A_99 = arith.constant 0 : i32
      %dma_start3A_100 = arith.constant 0 : i32
      %dma_start3A_101 = tpu.memref_slice %arg3[%dma_start3A_99, %dma_start3A_100] : memref<20000x64xi32, #tpu.memory_space<hbm>> -> memref<20000x64xi32, #tpu.memory_space<hbm>>
      tpu.enqueue_indirect_dma source(%dma_start3A_101 : memref<20000x64xi32, #tpu.memory_space<hbm>>) target(%arg12 : memref<128x64xi32, #tpu.memory_space<vmem>>) offsets(%dma_start3A_98 : memref<128xi32, #tpu.memory_space<vmem>>) semaphore(%arg15 : memref<!tpu.dma_semaphore, #tpu.memory_space<semaphore_mem>>)
      %dma_wait3A_102 = arith.constant 0 : i32
      %dma_wait3A_103 = tpu.memref_slice %arg9[%add3A_93, %dma_wait3A_102] : memref<160x128xi32, #tpu.memory_space<vmem>> -> memref<1x128xi32, #tpu.memory_space<vmem>>
      %dma_wait3A_104 = tpu.memref_squeeze %dma_wait3A_103 : memref<1x128xi32, #tpu.memory_space<vmem>> -> memref<128xi32, #tpu.memory_space<vmem>>
      %dma_wait3A_105 = arith.constant 0 : i32
      %dma_wait3A_106 = arith.constant 0 : i32
      %dma_wait3A_107 = tpu.memref_slice %arg3[%dma_wait3A_105, %dma_wait3A_106] : memref<20000x64xi32, #tpu.memory_space<hbm>> -> memref<20000x64xi32, #tpu.memory_space<hbm>>
      tpu.wait_indirect_dma semaphore(%arg14 : memref<!tpu.dma_semaphore, #tpu.memory_space<semaphore_mem>>) src(%dma_wait3A_107 : memref<20000x64xi32, #tpu.memory_space<hbm>>) dst(%arg11 : memref<128x64xi32, #tpu.memory_space<vmem>>)
      "tpu.region"() ({
        %run_scoped3A_126 = tpu.sem_alloc : memref<!tpu.dma_semaphore, #tpu.memory_space<semaphore_mem>>
        %dma_start3A_127 = arith.constant 0 : i32
        %dma_start3A_128 = tpu.memref_slice %arg10[%add3A_93, %dma_start3A_127] : memref<160x128xi32, #tpu.memory_space<vmem>> -> memref<1x128xi32, #tpu.memory_space<vmem>>
        %dma_start3A_129 = tpu.memref_squeeze %dma_start3A_128 : memref<1x128xi32, #tpu.memory_space<vmem>> -> memref<128xi32, #tpu.memory_space<vmem>>
        %dma_start3A_130 = arith.constant 0 : i32
        %dma_start3A_131 = arith.constant 0 : i32
        %dma_start3A_132 = tpu.memref_slice %arg13[%dma_start3A_130, %dma_start3A_131] : memref<10240x64xi32, #tpu.memory_space<vmem_shared>> -> memref<10240x64xi32, #tpu.memory_space<vmem_shared>>
        tpu.enqueue_indirect_dma source(%arg11 : memref<128x64xi32, #tpu.memory_space<vmem>>) target(%dma_start3A_132 : memref<10240x64xi32, #tpu.memory_space<vmem_shared>>) offsets(%dma_start3A_129 : memref<128xi32, #tpu.memory_space<vmem>>) semaphore(%run_scoped3A_126 : memref<!tpu.dma_semaphore, #tpu.memory_space<semaphore_mem>>) {add = true}
        %dma_wait3A_133 = arith.constant 0 : i32
        %dma_wait3A_134 = tpu.memref_slice %arg10[%add3A_93, %dma_wait3A_133] : memref<160x128xi32, #tpu.memory_space<vmem>> -> memref<1x128xi32, #tpu.memory_space<vmem>>
        %dma_wait3A_135 = tpu.memref_squeeze %dma_wait3A_134 : memref<1x128xi32, #tpu.memory_space<vmem>> -> memref<128xi32, #tpu.memory_space<vmem>>
        %dma_wait3A_136 = arith.constant 0 : i32
        %dma_wait3A_137 = arith.constant 0 : i32
        %dma_wait3A_138 = tpu.memref_slice %arg13[%dma_wait3A_136, %dma_wait3A_137] : memref<10240x64xi32, #tpu.memory_space<vmem_shared>> -> memref<10240x64xi32, #tpu.memory_space<vmem_shared>>
        tpu.wait_indirect_dma semaphore(%run_scoped3A_126 : memref<!tpu.dma_semaphore, #tpu.memory_space<semaphore_mem>>) src(%arg11 : memref<128x64xi32, #tpu.memory_space<vmem>>) dst(%dma_wait3A_138 : memref<10240x64xi32, #tpu.memory_space<vmem_shared>>)
        tpu.yield
      }) : () -> ()
      %add3A_108 = arith.constant 2 : i32
      %add3A_109 = arith.addi %add3A_93, %add3A_108 : i32
      %dma_start3A_110 = arith.constant 0 : i32
      %dma_start3A_111 = tpu.memref_slice %arg9[%add3A_109, %dma_start3A_110] : memref<160x128xi32, #tpu.memory_space<vmem>> -> memref<1x128xi32, #tpu.memory_space<vmem>>
      %dma_start3A_112 = tpu.memref_squeeze %dma_start3A_111 : memref<1x128xi32, #tpu.memory_space<vmem>> -> memref<128xi32, #tpu.memory_space<vmem>>
      %dma_start3A_113 = arith.constant 0 : i32
      %dma_start3A_114 = arith.constant 0 : i32
      %dma_start3A_115 = tpu.memref_slice %arg3[%dma_start3A_113, %dma_start3A_114] : memref<20000x64xi32, #tpu.memory_space<hbm>> -> memref<20000x64xi32, #tpu.memory_space<hbm>>
      tpu.enqueue_indirect_dma source(%dma_start3A_115 : memref<20000x64xi32, #tpu.memory_space<hbm>>) target(%arg11 : memref<128x64xi32, #tpu.memory_space<vmem>>) offsets(%dma_start3A_112 : memref<128xi32, #tpu.memory_space<vmem>>) semaphore(%arg14 : memref<!tpu.dma_semaphore, #tpu.memory_space<semaphore_mem>>)
      %add3A_116 = arith.constant 1 : i32
      %add3A_117 = arith.addi %add3A_93, %add3A_116 : i32
      %dma_wait3A_118 = arith.constant 0 : i32
      %dma_wait3A_119 = tpu.memref_slice %arg9[%add3A_117, %dma_wait3A_118] : memref<160x128xi32, #tpu.memory_space<vmem>> -> memref<1x128xi32, #tpu.memory_space<vmem>>
      %dma_wait3A_120 = tpu.memref_squeeze %dma_wait3A_119 : memref<1x128xi32, #tpu.memory_space<vmem>> -> memref<128xi32, #tpu.memory_space<vmem>>
      %dma_wait3A_121 = arith.constant 0 : i32
      %dma_wait3A_122 = arith.constant 0 : i32
      %dma_wait3A_123 = tpu.memref_slice %arg3[%dma_wait3A_121, %dma_wait3A_122] : memref<20000x64xi32, #tpu.memory_space<hbm>> -> memref<20000x64xi32, #tpu.memory_space<hbm>>
      tpu.wait_indirect_dma semaphore(%arg15 : memref<!tpu.dma_semaphore, #tpu.memory_space<semaphore_mem>>) src(%dma_wait3A_123 : memref<20000x64xi32, #tpu.memory_space<hbm>>) dst(%arg12 : memref<128x64xi32, #tpu.memory_space<vmem>>)
      %add3A_124 = arith.constant 1 : i32
      %add3A_125 = arith.addi %add3A_93, %add3A_124 : i32
      "tpu.region"() ({
        %run_scoped3A_126 = tpu.sem_alloc : memref<!tpu.dma_semaphore, #tpu.memory_space<semaphore_mem>>
        %dma_start3A_127 = arith.constant 0 : i32
        %dma_start3A_128 = tpu.memref_slice %arg10[%add3A_125, %dma_start3A_127] : memref<160x128xi32, #tpu.memory_space<vmem>> -> memref<1x128xi32, #tpu.memory_space<vmem>>
        %dma_start3A_129 = tpu.memref_squeeze %dma_start3A_128 : memref<1x128xi32, #tpu.memory_space<vmem>> -> memref<128xi32, #tpu.memory_space<vmem>>
        %dma_start3A_130 = arith.constant 0 : i32
        %dma_start3A_131 = arith.constant 0 : i32
        %dma_start3A_132 = tpu.memref_slice %arg13[%dma_start3A_130, %dma_start3A_131] : memref<10240x64xi32, #tpu.memory_space<vmem_shared>> -> memref<10240x64xi32, #tpu.memory_space<vmem_shared>>
        tpu.enqueue_indirect_dma source(%arg12 : memref<128x64xi32, #tpu.memory_space<vmem>>) target(%dma_start3A_132 : memref<10240x64xi32, #tpu.memory_space<vmem_shared>>) offsets(%dma_start3A_129 : memref<128xi32, #tpu.memory_space<vmem>>) semaphore(%run_scoped3A_126 : memref<!tpu.dma_semaphore, #tpu.memory_space<semaphore_mem>>) {add = true}
        %dma_wait3A_133 = arith.constant 0 : i32
        %dma_wait3A_134 = tpu.memref_slice %arg10[%add3A_125, %dma_wait3A_133] : memref<160x128xi32, #tpu.memory_space<vmem>> -> memref<1x128xi32, #tpu.memory_space<vmem>>
        %dma_wait3A_135 = tpu.memref_squeeze %dma_wait3A_134 : memref<1x128xi32, #tpu.memory_space<vmem>> -> memref<128xi32, #tpu.memory_space<vmem>>
        %dma_wait3A_136 = arith.constant 0 : i32
        %dma_wait3A_137 = arith.constant 0 : i32
        %dma_wait3A_138 = tpu.memref_slice %arg13[%dma_wait3A_136, %dma_wait3A_137] : memref<10240x64xi32, #tpu.memory_space<vmem_shared>> -> memref<10240x64xi32, #tpu.memory_space<vmem_shared>>
        tpu.wait_indirect_dma semaphore(%run_scoped3A_126 : memref<!tpu.dma_semaphore, #tpu.memory_space<semaphore_mem>>) src(%arg12 : memref<128x64xi32, #tpu.memory_space<vmem>>) dst(%dma_wait3A_138 : memref<10240x64xi32, #tpu.memory_space<vmem_shared>>)
        tpu.yield
      }) : () -> ()
    }
    %scan3A_57 = arith.constant 79 : i32
    %dma_start3A_58 = arith.constant 159 : i32
    %dma_start3A_59 = arith.constant 0 : i32
    %dma_start3A_60 = tpu.memref_slice %arg9[%dma_start3A_58, %dma_start3A_59] : memref<160x128xi32, #tpu.memory_space<vmem>> -> memref<1x128xi32, #tpu.memory_space<vmem>>
    %dma_start3A_61 = tpu.memref_squeeze %dma_start3A_60 : memref<1x128xi32, #tpu.memory_space<vmem>> -> memref<128xi32, #tpu.memory_space<vmem>>
    %dma_start3A_62 = arith.constant 0 : i32
    %dma_start3A_63 = arith.constant 0 : i32
    %dma_start3A_64 = tpu.memref_slice %arg3[%dma_start3A_62, %dma_start3A_63] : memref<20000x64xi32, #tpu.memory_space<hbm>> -> memref<20000x64xi32, #tpu.memory_space<hbm>>
    tpu.enqueue_indirect_dma source(%dma_start3A_64 : memref<20000x64xi32, #tpu.memory_space<hbm>>) target(%arg12 : memref<128x64xi32, #tpu.memory_space<vmem>>) offsets(%dma_start3A_61 : memref<128xi32, #tpu.memory_space<vmem>>) semaphore(%arg15 : memref<!tpu.dma_semaphore, #tpu.memory_space<semaphore_mem>>)
    %dma_wait3A_65 = arith.constant 158 : i32
    %dma_wait3A_66 = arith.constant 0 : i32
    %dma_wait3A_67 = tpu.memref_slice %arg9[%dma_wait3A_65, %dma_wait3A_66] : memref<160x128xi32, #tpu.memory_space<vmem>> -> memref<1x128xi32, #tpu.memory_space<vmem>>
    %dma_wait3A_68 = tpu.memref_squeeze %dma_wait3A_67 : memref<1x128xi32, #tpu.memory_space<vmem>> -> memref<128xi32, #tpu.memory_space<vmem>>
    %dma_wait3A_69 = arith.constant 0 : i32
    %dma_wait3A_70 = arith.constant 0 : i32
    %dma_wait3A_71 = tpu.memref_slice %arg3[%dma_wait3A_69, %dma_wait3A_70] : memref<20000x64xi32, #tpu.memory_space<hbm>> -> memref<20000x64xi32, #tpu.memory_space<hbm>>
    tpu.wait_indirect_dma semaphore(%arg14 : memref<!tpu.dma_semaphore, #tpu.memory_space<semaphore_mem>>) src(%dma_wait3A_71 : memref<20000x64xi32, #tpu.memory_space<hbm>>) dst(%arg11 : memref<128x64xi32, #tpu.memory_space<vmem>>)
    %run_scoped3A_72 = arith.constant 158 : i32
    "tpu.region"() ({
      %run_scoped3A_89 = tpu.sem_alloc : memref<!tpu.dma_semaphore, #tpu.memory_space<semaphore_mem>>
      %dma_start3A_90 = arith.constant 0 : i32
      %dma_start3A_91 = tpu.memref_slice %arg10[%run_scoped3A_72, %dma_start3A_90] : memref<160x128xi32, #tpu.memory_space<vmem>> -> memref<1x128xi32, #tpu.memory_space<vmem>>
      %dma_start3A_92 = tpu.memref_squeeze %dma_start3A_91 : memref<1x128xi32, #tpu.memory_space<vmem>> -> memref<128xi32, #tpu.memory_space<vmem>>
      %dma_start3A_93 = arith.constant 0 : i32
      %dma_start3A_94 = arith.constant 0 : i32
      %dma_start3A_95 = tpu.memref_slice %arg13[%dma_start3A_93, %dma_start3A_94] : memref<10240x64xi32, #tpu.memory_space<vmem_shared>> -> memref<10240x64xi32, #tpu.memory_space<vmem_shared>>
      tpu.enqueue_indirect_dma source(%arg11 : memref<128x64xi32, #tpu.memory_space<vmem>>) target(%dma_start3A_95 : memref<10240x64xi32, #tpu.memory_space<vmem_shared>>) offsets(%dma_start3A_92 : memref<128xi32, #tpu.memory_space<vmem>>) semaphore(%run_scoped3A_89 : memref<!tpu.dma_semaphore, #tpu.memory_space<semaphore_mem>>) {add = true}
      %dma_wait3A_96 = arith.constant 0 : i32
      %dma_wait3A_97 = tpu.memref_slice %arg10[%run_scoped3A_72, %dma_wait3A_96] : memref<160x128xi32, #tpu.memory_space<vmem>> -> memref<1x128xi32, #tpu.memory_space<vmem>>
      %dma_wait3A_98 = tpu.memref_squeeze %dma_wait3A_97 : memref<1x128xi32, #tpu.memory_space<vmem>> -> memref<128xi32, #tpu.memory_space<vmem>>
      %dma_wait3A_99 = arith.constant 0 : i32
      %dma_wait3A_100 = arith.constant 0 : i32
      %dma_wait3A_101 = tpu.memref_slice %arg13[%dma_wait3A_99, %dma_wait3A_100] : memref<10240x64xi32, #tpu.memory_space<vmem_shared>> -> memref<10240x64xi32, #tpu.memory_space<vmem_shared>>
      tpu.wait_indirect_dma semaphore(%run_scoped3A_89 : memref<!tpu.dma_semaphore, #tpu.memory_space<semaphore_mem>>) src(%arg11 : memref<128x64xi32, #tpu.memory_space<vmem>>) dst(%dma_wait3A_101 : memref<10240x64xi32, #tpu.memory_space<vmem_shared>>)
      tpu.yield
    }) : () -> ()
    %dma_wait3A_73 = arith.constant 159 : i32
    %dma_wait3A_74 = arith.constant 0 : i32
    %dma_wait3A_75 = tpu.memref_slice %arg9[%dma_wait3A_73, %dma_wait3A_74] : memref<160x128xi32, #tpu.memory_space<vmem>> -> memref<1x128xi32, #tpu.memory_space<vmem>>
    %dma_wait3A_76 = tpu.memref_squeeze %dma_wait3A_75 : memref<1x128xi32, #tpu.memory_space<vmem>> -> memref<128xi32, #tpu.memory_space<vmem>>
    %dma_wait3A_77 = arith.constant 0 : i32
    %dma_wait3A_78 = arith.constant 0 : i32
    %dma_wait3A_79 = tpu.memref_slice %arg3[%dma_wait3A_77, %dma_wait3A_78] : memref<20000x64xi32, #tpu.memory_space<hbm>> -> memref<20000x64xi32, #tpu.memory_space<hbm>>
    tpu.wait_indirect_dma semaphore(%arg15 : memref<!tpu.dma_semaphore, #tpu.memory_space<semaphore_mem>>) src(%dma_wait3A_79 : memref<20000x64xi32, #tpu.memory_space<hbm>>) dst(%arg12 : memref<128x64xi32, #tpu.memory_space<vmem>>)
    %run_scoped3A_80 = arith.constant 159 : i32
    "tpu.region"() ({
      %run_scoped3A_89 = tpu.sem_alloc : memref<!tpu.dma_semaphore, #tpu.memory_space<semaphore_mem>>
      %dma_start3A_90 = arith.constant 0 : i32
      %dma_start3A_91 = tpu.memref_slice %arg10[%run_scoped3A_80, %dma_start3A_90] : memref<160x128xi32, #tpu.memory_space<vmem>> -> memref<1x128xi32, #tpu.memory_space<vmem>>
      %dma_start3A_92 = tpu.memref_squeeze %dma_start3A_91 : memref<1x128xi32, #tpu.memory_space<vmem>> -> memref<128xi32, #tpu.memory_space<vmem>>
      %dma_start3A_93 = arith.constant 0 : i32
      %dma_start3A_94 = arith.constant 0 : i32
      %dma_start3A_95 = tpu.memref_slice %arg13[%dma_start3A_93, %dma_start3A_94] : memref<10240x64xi32, #tpu.memory_space<vmem_shared>> -> memref<10240x64xi32, #tpu.memory_space<vmem_shared>>
      tpu.enqueue_indirect_dma source(%arg12 : memref<128x64xi32, #tpu.memory_space<vmem>>) target(%dma_start3A_95 : memref<10240x64xi32, #tpu.memory_space<vmem_shared>>) offsets(%dma_start3A_92 : memref<128xi32, #tpu.memory_space<vmem>>) semaphore(%run_scoped3A_89 : memref<!tpu.dma_semaphore, #tpu.memory_space<semaphore_mem>>) {add = true}
      %dma_wait3A_96 = arith.constant 0 : i32
      %dma_wait3A_97 = tpu.memref_slice %arg10[%run_scoped3A_80, %dma_wait3A_96] : memref<160x128xi32, #tpu.memory_space<vmem>> -> memref<1x128xi32, #tpu.memory_space<vmem>>
      %dma_wait3A_98 = tpu.memref_squeeze %dma_wait3A_97 : memref<1x128xi32, #tpu.memory_space<vmem>> -> memref<128xi32, #tpu.memory_space<vmem>>
      %dma_wait3A_99 = arith.constant 0 : i32
      %dma_wait3A_100 = arith.constant 0 : i32
      %dma_wait3A_101 = tpu.memref_slice %arg13[%dma_wait3A_99, %dma_wait3A_100] : memref<10240x64xi32, #tpu.memory_space<vmem_shared>> -> memref<10240x64xi32, #tpu.memory_space<vmem_shared>>
      tpu.wait_indirect_dma semaphore(%run_scoped3A_89 : memref<!tpu.dma_semaphore, #tpu.memory_space<semaphore_mem>>) src(%arg12 : memref<128x64xi32, #tpu.memory_space<vmem>>) dst(%dma_wait3A_101 : memref<10240x64xi32, #tpu.memory_space<vmem_shared>>)
      tpu.yield
    }) : () -> ()
    %barrier3A_81 = arith.constant 0 : index
    tpu.barrier barrier_id(%barrier3A_81)
    %mul3A_82 = arith.constant 625 : i32
    %mul3A_83 = arith.muli %arg1, %mul3A_82 : i32
    %mul3A_84 = arith.constant 10000 : i32
    %mul3A_85 = arith.muli %arg0, %mul3A_84 : i32
    %mul3A_86 = arith.constant 625 : i32
    %mul3A_87 = arith.muli %arg1, %mul3A_86 : i32
    %add3A_88 = arith.addi %mul3A_85, %mul3A_87 : i32
    "tpu.region"() ({
      %run_scoped3A_89 = tpu.sem_alloc : memref<!tpu.dma_semaphore, #tpu.memory_space<semaphore_mem>>
      %dma_start3A_90 = arith.constant 0 : i32
      %dma_start3A_91 = tpu.memref_slice %arg8[%add3A_88, %dma_start3A_90] : memref<20000x64xi32, #tpu.memory_space<hbm>> -> memref<625x64xi32, #tpu.memory_space<hbm>>
      %dma_start3A_92 = arith.constant 0 : i32
      %dma_start3A_93 = tpu.memref_slice %arg13[%mul3A_83, %dma_start3A_92] : memref<10240x64xi32, #tpu.memory_space<vmem_shared>> -> memref<625x64xi32, #tpu.memory_space<vmem_shared>>
      tpu.enqueue_dma source(%dma_start3A_93 : memref<625x64xi32, #tpu.memory_space<vmem_shared>>) target(%dma_start3A_91 : memref<625x64xi32, #tpu.memory_space<hbm>>) target_semaphore(%run_scoped3A_89 : memref<!tpu.dma_semaphore, #tpu.memory_space<semaphore_mem>>)
      %dma_wait3A_94 = arith.constant 0 : i32
      %dma_wait3A_95 = tpu.memref_slice %arg8[%add3A_88, %dma_wait3A_94] : memref<20000x64xi32, #tpu.memory_space<hbm>> -> memref<625x64xi32, #tpu.memory_space<hbm>>
      %dma_wait3A_96 = arith.constant 0 : i32
      %dma_wait3A_97 = tpu.memref_slice %arg13[%mul3A_83, %dma_wait3A_96] : memref<10240x64xi32, #tpu.memory_space<vmem_shared>> -> memref<625x64xi32, #tpu.memory_space<vmem_shared>>
      tpu.wait_dma2 semaphore(%run_scoped3A_89 : memref<!tpu.dma_semaphore, #tpu.memory_space<semaphore_mem>>) src(%dma_wait3A_97 : memref<625x64xi32, #tpu.memory_space<vmem_shared>>) dst(%dma_wait3A_95 : memref<625x64xi32, #tpu.memory_space<hbm>>)
      tpu.yield
    }) : () -> ()
    return
  }
}

module attributes {stable_mosaic.version = 14 : i64} {
  func.func @body(%arg0: i32, %arg1: memref<1000x128xf32, #tpu.memory_space<vmem>>, %arg2: memref<1000x128xi32, #tpu.memory_space<vmem>>) attributes {dimension_semantics = [#tpu.dimension_semantics<arbitrary>], iteration_bounds = array<i64: 20>, scalar_prefetch = 0 : i64, scratch_operands = 0 : i64, tpu.core_type = #tpu.core_type<tc>, window_params = [{transform_indices = @transform_0, window_bounds = array<i64: 1000, 128>}, {transform_indices = @transform_1, window_bounds = array<i64: 1000, 128>}]} {
    %get3A = arith.constant 0 : index
    %get3A_0 = arith.constant 0 : index
    %get3A_1 = vector.load %arg1[%get3A, %get3A_0] : memref<1000x128xf32, #tpu.memory_space<vmem>>, vector<1000x128xf32>
    %mul3A = arith.constant 0x4B000000 : f32
    %mul3A_2 = vector.broadcast %mul3A : f32 to vector<1000x128xf32>
    %mul3A_3 = arith.mulf %get3A_1, %mul3A_2 : vector<1000x128xf32>
    %ge3A = arith.constant 0.000000e+00 : f32
    %ge3A_4 = vector.broadcast %ge3A : f32 to vector<1000x128xf32>
    %ge3A_5 = arith.cmpf oge, %mul3A_3, %ge3A_4 : vector<1000x128xf32>
    %add3A = arith.constant 5.000000e-01 : f32
    %add3A_6 = vector.broadcast %add3A : f32 to vector<1000x128xf32>
    %add3A_7 = arith.addf %mul3A_3, %add3A_6 : vector<1000x128xf32>
    %sub3A = arith.constant 5.000000e-01 : f32
    %sub3A_8 = vector.broadcast %sub3A : f32 to vector<1000x128xf32>
    %sub3A_9 = arith.subf %mul3A_3, %sub3A_8 : vector<1000x128xf32>
    %select_n3A = arith.select %ge3A_5, %add3A_7, %sub3A_9 : vector<1000x128xi1>, vector<1000x128xf32>
    %convert_element_type3A = arith.fptosi %select_n3A : vector<1000x128xf32> to vector<1000x128xi32>
    %swap3A = arith.constant 0 : index
    %swap3A_10 = arith.constant 0 : index
    %swap3A_11 = vector.load %arg2[%swap3A, %swap3A_10] : memref<1000x128xi32, #tpu.memory_space<vmem>>, vector<1000x128xi32>
    tpu.vector_store %arg2[%swap3A, %swap3A_10], %convert_element_type3A {strides = array<i32>} : memref<1000x128xi32, #tpu.memory_space<vmem>>, vector<1000x128xi32>,
    return
  }
  func.func @transform_0(%arg0: i32) -> (i32, i32) {
    %c0_i32 = arith.constant 0 : i32
    %c0_i32_0 = arith.constant 0 : i32
    return %arg0, %c0_i32 : i32, i32
  }
  func.func @transform_1(%arg0: i32) -> (i32, i32) {
    %c0_i32 = arith.constant 0 : i32
    %c0_i32_0 = arith.constant 0 : i32
    return %arg0, %c0_i32 : i32, i32
  }
}

module attributes {stable_mosaic.version = 14 : i64} {
  func.func @body(%arg0: i32, %arg1: memref<1000x128xf32, #tpu.memory_space<vmem>>, %arg2: memref<1000x128xi32, #tpu.memory_space<vmem>>, %arg3: memref<128x64xf32, #tpu.memory_space<vmem>>, %arg4: memref<1x64xf32, #tpu.memory_space<vmem>>, %arg5: memref<64x64xf32, #tpu.memory_space<vmem>>, %arg6: memref<1x64xf32, #tpu.memory_space<vmem>>, %arg7: memref<1x1x1000xi32, #tpu.memory_space<vmem>>, %arg8: memref<1000x64xf32, #tpu.memory_space<vmem>>, %arg9: memref<128x64xf32, #tpu.memory_space<vmem>>, %arg10: memref<1x128xf32, #tpu.memory_space<vmem>>) attributes {dimension_semantics = [#tpu.dimension_semantics<arbitrary>], iteration_bounds = array<i64: 20>, scalar_prefetch = 0 : i64, scratch_operands = 0 : i64, tpu.core_type = #tpu.core_type<tc>, window_params = [{transform_indices = @transform_0, window_bounds = array<i64: 1000, 128>}, {transform_indices = @transform_1, window_bounds = array<i64: 1000, 128>}, {pipeline_mode = #tpu.pipeline_mode<synchronous>, transform_indices = @transform_2, window_bounds = array<i64: 128, 64>}, {pipeline_mode = #tpu.pipeline_mode<synchronous>, transform_indices = @transform_3, window_bounds = array<i64: 1, 64>}, {pipeline_mode = #tpu.pipeline_mode<synchronous>, transform_indices = @transform_4, window_bounds = array<i64: 64, 64>}, {pipeline_mode = #tpu.pipeline_mode<synchronous>, transform_indices = @transform_5, window_bounds = array<i64: 1, 64>}, {transform_indices = @transform_6, window_bounds = array<i64: 1, 1, 1000>}, {transform_indices = @transform_7, window_bounds = array<i64: 1000, 64>}, {pipeline_mode = #tpu.pipeline_mode<synchronous>, transform_indices = @transform_8, window_bounds = array<i64: 128, 64>}, {pipeline_mode = #tpu.pipeline_mode<synchronous>, transform_indices = @transform_9, window_bounds = array<i64: 1, 128>}]} {
    %get3A = arith.constant 0 : index
    %get3A_0 = arith.constant 0 : index
    %get3A_1 = vector.load %arg1[%get3A, %get3A_0] : memref<1000x128xf32, #tpu.memory_space<vmem>>, vector<1000x128xf32>
    %get3A_2 = arith.constant 0 : index
    %get3A_3 = arith.constant 0 : index
    %get3A_4 = vector.load %arg2[%get3A_2, %get3A_3] : memref<1000x128xi32, #tpu.memory_space<vmem>>, vector<1000x128xi32>
    %convert_element_type3A = arith.sitofp %get3A_4 : vector<1000x128xi32> to vector<1000x128xf32>
    %mul3A = arith.constant 1.1920929E-7 : f32
    %mul3A_5 = vector.broadcast %mul3A : f32 to vector<1000x128xf32>
    %mul3A_6 = arith.mulf %convert_element_type3A, %mul3A_5 : vector<1000x128xf32>
    %add3A = arith.addf %get3A_1, %mul3A_6 : vector<1000x128xf32>
    %get3A_7 = arith.constant 0 : index
    %get3A_8 = arith.constant 0 : index
    %get3A_9 = vector.load %arg3[%get3A_7, %get3A_8] : memref<128x64xf32, #tpu.memory_space<vmem>>, vector<128x64xf32>
    %convert_element_type3A_10 = arith.truncf %add3A : vector<1000x128xf32> to vector<1000x128xbf16>
    %convert_element_type3A_11 = arith.truncf %get3A_9 : vector<128x64xf32> to vector<128x64xbf16>
    %dot_general3A = arith.constant dense<0.000000e+00> : vector<1000x64xf32>
    %dot_general3A_12 = tpu.matmul %convert_element_type3A_10, %convert_element_type3A_11, %dot_general3A {dimension_numbers = #tpu.dot_dimension_numbers<[1], [0], [0], [1], [0, 0, 1, 1], [], []>, transpose_lhs_hint = false} : vector<1000x128xbf16>, vector<128x64xbf16>, vector<1000x64xf32> -> vector<1000x64xf32>
    %get3A_13 = arith.constant 0 : index
    %get3A_14 = arith.constant 0 : index
    %get3A_15 = vector.load %arg4[%get3A_13, %get3A_14] : memref<1x64xf32, #tpu.memory_space<vmem>>, vector<1x64xf32>
    %add3A_16 = vector.broadcast %get3A_15 : vector<1x64xf32> to vector<1000x64xf32>
    %add3A_17 = arith.addf %dot_general3A_12, %add3A_16 : vector<1000x64xf32>
    %max3A = arith.constant 0.000000e+00 : f32
    %max3A_18 = vector.broadcast %max3A : f32 to vector<1000x64xf32>
    %max3A_19 = arith.maximumf %add3A_17, %max3A_18 : vector<1000x64xf32>
    %get3A_20 = arith.constant 0 : index
    %get3A_21 = arith.constant 0 : index
    %get3A_22 = vector.load %arg5[%get3A_20, %get3A_21] : memref<64x64xf32, #tpu.memory_space<vmem>>, vector<64x64xf32>
    %convert_element_type3A_23 = arith.truncf %max3A_19 : vector<1000x64xf32> to vector<1000x64xbf16>
    %convert_element_type3A_24 = arith.truncf %get3A_22 : vector<64x64xf32> to vector<64x64xbf16>
    %dot_general3A_25 = arith.constant dense<0.000000e+00> : vector<1000x64xf32>
    %dot_general3A_26 = tpu.matmul %convert_element_type3A_23, %convert_element_type3A_24, %dot_general3A_25 {dimension_numbers = #tpu.dot_dimension_numbers<[1], [0], [0], [1], [0, 0, 1, 1], [], []>, transpose_lhs_hint = false} : vector<1000x64xbf16>, vector<64x64xbf16>, vector<1000x64xf32> -> vector<1000x64xf32>
    %get3A_27 = arith.constant 0 : index
    %get3A_28 = arith.constant 0 : index
    %get3A_29 = vector.load %arg6[%get3A_27, %get3A_28] : memref<1x64xf32, #tpu.memory_space<vmem>>, vector<1x64xf32>
    %add3A_30 = vector.broadcast %get3A_29 : vector<1x64xf32> to vector<1000x64xf32>
    %add3A_31 = arith.addf %dot_general3A_26, %add3A_30 : vector<1000x64xf32>
    %swap3A = arith.constant 0 : index
    %swap3A_32 = arith.constant 0 : index
    %swap3A_33 = vector.load %arg8[%swap3A, %swap3A_32] : memref<1000x64xf32, #tpu.memory_space<vmem>>, vector<1000x64xf32>
    tpu.vector_store %arg8[%swap3A, %swap3A_32], %add3A_31 {strides = array<i32>} : memref<1000x64xf32, #tpu.memory_space<vmem>>, vector<1000x64xf32>,
    %iota3A = tpu.iota {dimensions = array<i32: 0>} : vector<128x1000xi32>
    %get3A_34 = arith.constant 0 : index
    %get3A_35 = arith.constant 0 : index
    %get3A_36 = arith.constant 0 : index
    %get3A_37 = vector.load %arg7[%get3A_34, %get3A_35, %get3A_36] : memref<1x1x1000xi32, #tpu.memory_space<vmem>>, vector<1x1x1000xi32>
    %get3A_38 = vector.shape_cast %get3A_37 : vector<1x1x1000xi32> to vector<1x1000xi32>
    %eq3A = vector.broadcast %get3A_38 : vector<1x1000xi32> to vector<128x1000xi32>
    %eq3A_39 = arith.cmpi eq, %iota3A, %eq3A : vector<128x1000xi32>
    %convert_element_type3A_40 = arith.extui %eq3A_39 : vector<128x1000xi1> to vector<128x1000xi32>
    %convert_element_type3A_41 = arith.sitofp %convert_element_type3A_40 : vector<128x1000xi32> to vector<128x1000xf32>
    %eq3A_42 = arith.constant 0 : i32
    %eq3A_43 = arith.cmpi eq, %arg0, %eq3A_42 : i32
    %convert_element_type3A_44 = arith.extui %eq3A_43 : i1 to i32
    %cond3A = arith.constant 0 : i32
    %cond3A_45 = arith.cmpi ne, %convert_element_type3A_44, %cond3A : i32
    scf.if %cond3A_45 {
      %broadcast_in_dim3A_63 = arith.constant 0.000000e+00 : f32
      %broadcast_in_dim3A_64 = vector.broadcast %broadcast_in_dim3A_63 : f32 to vector<128x64xf32>
      %swap3A_65 = arith.constant 0 : index
      %swap3A_66 = arith.constant 0 : index
      %swap3A_67 = vector.load %arg9[%swap3A_65, %swap3A_66] : memref<128x64xf32, #tpu.memory_space<vmem>>, vector<128x64xf32>
      tpu.vector_store %arg9[%swap3A_65, %swap3A_66], %broadcast_in_dim3A_64 {strides = array<i32>} : memref<128x64xf32, #tpu.memory_space<vmem>>, vector<128x64xf32>,
      %broadcast_in_dim3A_68 = arith.constant 0.000000e+00 : f32
      %broadcast_in_dim3A_69 = vector.broadcast %broadcast_in_dim3A_68 : f32 to vector<1x128xf32>
      %swap3A_70 = arith.constant 0 : index
      %swap3A_71 = arith.constant 0 : index
      %swap3A_72 = vector.load %arg10[%swap3A_70, %swap3A_71] : memref<1x128xf32, #tpu.memory_space<vmem>>, vector<1x128xf32>
      tpu.vector_store %arg10[%swap3A_70, %swap3A_71], %broadcast_in_dim3A_69 {strides = array<i32>} : memref<1x128xf32, #tpu.memory_space<vmem>>, vector<1x128xf32>,
    } else {
    }
    %get3A_46 = arith.constant 0 : index
    %get3A_47 = arith.constant 0 : index
    %get3A_48 = vector.load %arg9[%get3A_46, %get3A_47] : memref<128x64xf32, #tpu.memory_space<vmem>>, vector<128x64xf32>
    %dot_general3A_49 = arith.constant dense<0.000000e+00> : vector<128x64xf32>
    %dot_general3A_50 = tpu.matmul %convert_element_type3A_41, %add3A_31, %dot_general3A_49 {dimension_numbers = #tpu.dot_dimension_numbers<[1], [0], [0], [1], [0, 0, 1, 1], [], []>, precision = #tpu.contract_precision<fp32>, transpose_lhs_hint = false} : vector<128x1000xf32>, vector<1000x64xf32>, vector<128x64xf32> -> vector<128x64xf32>
    %add3A_51 = arith.addf %get3A_48, %dot_general3A_50 : vector<128x64xf32>
    %swap3A_52 = arith.constant 0 : index
    %swap3A_53 = arith.constant 0 : index
    %swap3A_54 = vector.load %arg9[%swap3A_52, %swap3A_53] : memref<128x64xf32, #tpu.memory_space<vmem>>, vector<128x64xf32>
    tpu.vector_store %arg9[%swap3A_52, %swap3A_53], %add3A_51 {strides = array<i32>} : memref<128x64xf32, #tpu.memory_space<vmem>>, vector<128x64xf32>,
    %get3A_55 = arith.constant 0 : index
    %get3A_56 = arith.constant 0 : index
    %get3A_57 = vector.load %arg10[%get3A_55, %get3A_56] : memref<1x128xf32, #tpu.memory_space<vmem>>, vector<1x128xf32>
    %reduce_sum3A = arith.constant dense<0.000000e+00> : vector<128xf32>
    %reduce_sum3A_58 = vector.multi_reduction <add>, %convert_element_type3A_41, %reduce_sum3A [1] : vector<128x1000xf32> to vector<128xf32>
    %broadcast_in_dim3A = vector.shape_cast %reduce_sum3A_58 : vector<128xf32> to vector<1x128xf32>
    %add3A_59 = arith.addf %get3A_57, %broadcast_in_dim3A : vector<1x128xf32>
    %swap3A_60 = arith.constant 0 : index
    %swap3A_61 = arith.constant 0 : index
    %swap3A_62 = vector.load %arg10[%swap3A_60, %swap3A_61] : memref<1x128xf32, #tpu.memory_space<vmem>>, vector<1x128xf32>
    tpu.vector_store %arg10[%swap3A_60, %swap3A_61], %add3A_59 {strides = array<i32>} : memref<1x128xf32, #tpu.memory_space<vmem>>, vector<1x128xf32>,
    return
  }
  func.func @transform_0(%arg0: i32) -> (i32, i32) {
    %c0_i32 = arith.constant 0 : i32
    %c0_i32_0 = arith.constant 0 : i32
    return %arg0, %c0_i32 : i32, i32
  }
  func.func @transform_1(%arg0: i32) -> (i32, i32) {
    %c0_i32 = arith.constant 0 : i32
    %c0_i32_0 = arith.constant 0 : i32
    return %arg0, %c0_i32 : i32, i32
  }
  func.func @transform_2(%arg0: i32) -> (i32, i32) {
    %c0_i32 = arith.constant 0 : i32
    %c0_i32_0 = arith.constant 0 : i32
    %c0_i32_1 = arith.constant 0 : i32
    return %c0_i32, %c0_i32_0 : i32, i32
  }
  func.func @transform_3(%arg0: i32) -> (i32, i32) {
    %c0_i32 = arith.constant 0 : i32
    %c0_i32_0 = arith.constant 0 : i32
    %c0_i32_1 = arith.constant 0 : i32
    return %c0_i32, %c0_i32_0 : i32, i32
  }
  func.func @transform_4(%arg0: i32) -> (i32, i32) {
    %c0_i32 = arith.constant 0 : i32
    %c0_i32_0 = arith.constant 0 : i32
    %c0_i32_1 = arith.constant 0 : i32
    return %c0_i32, %c0_i32_0 : i32, i32
  }
  func.func @transform_5(%arg0: i32) -> (i32, i32) {
    %c0_i32 = arith.constant 0 : i32
    %c0_i32_0 = arith.constant 0 : i32
    %c0_i32_1 = arith.constant 0 : i32
    return %c0_i32, %c0_i32_0 : i32, i32
  }
  func.func @transform_6(%arg0: i32) -> (i32, i32, i32) {
    %c0_i32 = arith.constant 0 : i32
    %c0_i32_0 = arith.constant 0 : i32
    %c0_i32_1 = arith.constant 0 : i32
    return %arg0, %c0_i32, %c0_i32_0 : i32, i32, i32
  }
  func.func @transform_7(%arg0: i32) -> (i32, i32) {
    %c0_i32 = arith.constant 0 : i32
    %c0_i32_0 = arith.constant 0 : i32
    return %arg0, %c0_i32 : i32, i32
  }
  func.func @transform_8(%arg0: i32) -> (i32, i32) {
    %c0_i32 = arith.constant 0 : i32
    %c0_i32_0 = arith.constant 0 : i32
    %c0_i32_1 = arith.constant 0 : i32
    return %c0_i32, %c0_i32_0 : i32, i32
  }
  func.func @transform_9(%arg0: i32) -> (i32, i32) {
    %c0_i32 = arith.constant 0 : i32
    %c0_i32_0 = arith.constant 0 : i32
    %c0_i32_1 = arith.constant 0 : i32
    return %c0_i32, %c0_i32_0 : i32, i32
  }
}

module attributes {stable_mosaic.version = 14 : i64} {
  func.func @body(%arg0: i32, %arg1: memref<1000x64xf32, #tpu.memory_space<vmem>>, %arg2: memref<128x64xf32, #tpu.memory_space<vmem>>, %arg3: memref<1x128xf32, #tpu.memory_space<vmem>>, %arg4: memref<1x1000x1xi32, #tpu.memory_space<vmem>>, %arg5: memref<1x1x1000xi32, #tpu.memory_space<vmem>>, %arg6: memref<128x64xf32, #tpu.memory_space<vmem>>) attributes {dimension_semantics = [#tpu.dimension_semantics<arbitrary>], iteration_bounds = array<i64: 20>, scalar_prefetch = 0 : i64, scratch_operands = 0 : i64, tpu.core_type = #tpu.core_type<tc>, window_params = [{transform_indices = @transform_0, window_bounds = array<i64: 1000, 64>}, {pipeline_mode = #tpu.pipeline_mode<synchronous>, transform_indices = @transform_1, window_bounds = array<i64: 128, 64>}, {pipeline_mode = #tpu.pipeline_mode<synchronous>, transform_indices = @transform_2, window_bounds = array<i64: 1, 128>}, {transform_indices = @transform_3, window_bounds = array<i64: 1, 1000, 1>}, {transform_indices = @transform_4, window_bounds = array<i64: 1, 1, 1000>}, {pipeline_mode = #tpu.pipeline_mode<synchronous>, transform_indices = @transform_5, window_bounds = array<i64: 128, 64>}]} {
    %get3A = arith.constant 0 : index
    %get3A_0 = arith.constant 0 : index
    %get3A_1 = vector.load %arg3[%get3A, %get3A_0] : memref<1x128xf32, #tpu.memory_space<vmem>>, vector<1x128xf32>
    %get3A_2 = vector.shape_cast %get3A_1 : vector<1x128xf32> to vector<128xf32>
    %max3A = arith.constant 1.000000e+00 : f32
    %max3A_3 = vector.broadcast %max3A : f32 to vector<128xf32>
    %max3A_4 = arith.maximumf %get3A_2, %max3A_3 : vector<128xf32>
    %mul3A = arith.constant 6.400000e+01 : f32
    %mul3A_5 = vector.broadcast %mul3A : f32 to vector<128xf32>
    %mul3A_6 = arith.mulf %max3A_4, %mul3A_5 : vector<128xf32>
    %get3A_7 = arith.constant 0 : index
    %get3A_8 = arith.constant 0 : index
    %get3A_9 = vector.load %arg2[%get3A_7, %get3A_8] : memref<128x64xf32, #tpu.memory_space<vmem>>, vector<128x64xf32>
    %reduce_sum3A = arith.constant dense<0.000000e+00> : vector<128xf32>
    %reduce_sum3A_10 = vector.multi_reduction <add>, %get3A_9, %reduce_sum3A [1] : vector<128x64xf32> to vector<128xf32>
    %div3A = arith.divf %reduce_sum3A_10, %mul3A_6 : vector<128xf32>
    %broadcast_in_dim3A = vector.shape_cast %div3A : vector<128xf32> to vector<128x1xf32>
    %broadcast_in_dim3A_11 = vector.shape_cast %broadcast_in_dim3A : vector<128x1xf32> to vector<128x1xf32>
    %broadcast_in_dim3A_12 = vector.broadcast %broadcast_in_dim3A_11 : vector<128x1xf32> to vector<128x64xf32>
    %iota3A = tpu.iota {dimensions = array<i32: 1>} : vector<1000x128xi32>
    %get3A_13 = arith.constant 0 : index
    %get3A_14 = arith.constant 0 : index
    %get3A_15 = arith.constant 0 : index
    %get3A_16 = vector.load %arg4[%get3A_13, %get3A_14, %get3A_15] : memref<1x1000x1xi32, #tpu.memory_space<vmem>>, vector<1x1000x1xi32>
    %get3A_17 = vector.shape_cast %get3A_16 : vector<1x1000x1xi32> to vector<1000x1xi32>
    %eq3A = vector.broadcast %get3A_17 : vector<1000x1xi32> to vector<1000x128xi32>
    %eq3A_18 = arith.cmpi eq, %iota3A, %eq3A : vector<1000x128xi32>
    %convert_element_type3A = arith.extui %eq3A_18 : vector<1000x128xi1> to vector<1000x128xi32>
    %convert_element_type3A_19 = arith.sitofp %convert_element_type3A : vector<1000x128xi32> to vector<1000x128xf32>
    %get3A_20 = arith.constant 0 : index
    %get3A_21 = arith.constant 0 : index
    %get3A_22 = vector.load %arg1[%get3A_20, %get3A_21] : memref<1000x64xf32, #tpu.memory_space<vmem>>, vector<1000x64xf32>
    %dot_general3A = arith.constant dense<0.000000e+00> : vector<1000x64xf32>
    %dot_general3A_23 = tpu.matmul %convert_element_type3A_19, %broadcast_in_dim3A_12, %dot_general3A {dimension_numbers = #tpu.dot_dimension_numbers<[1], [0], [0], [1], [0, 0, 1, 1], [], []>, precision = #tpu.contract_precision<fp32>, transpose_lhs_hint = false} : vector<1000x128xf32>, vector<128x64xf32>, vector<1000x64xf32> -> vector<1000x64xf32>
    %sub3A = arith.subf %get3A_22, %dot_general3A_23 : vector<1000x64xf32>
    %iota3A_24 = tpu.iota {dimensions = array<i32: 0>} : vector<128x1000xi32>
    %get3A_25 = arith.constant 0 : index
    %get3A_26 = arith.constant 0 : index
    %get3A_27 = arith.constant 0 : index
    %get3A_28 = vector.load %arg5[%get3A_25, %get3A_26, %get3A_27] : memref<1x1x1000xi32, #tpu.memory_space<vmem>>, vector<1x1x1000xi32>
    %get3A_29 = vector.shape_cast %get3A_28 : vector<1x1x1000xi32> to vector<1x1000xi32>
    %eq3A_30 = vector.broadcast %get3A_29 : vector<1x1000xi32> to vector<128x1000xi32>
    %eq3A_31 = arith.cmpi eq, %iota3A_24, %eq3A_30 : vector<128x1000xi32>
    %convert_element_type3A_32 = arith.extui %eq3A_31 : vector<128x1000xi1> to vector<128x1000xi32>
    %convert_element_type3A_33 = arith.sitofp %convert_element_type3A_32 : vector<128x1000xi32> to vector<128x1000xf32>
    %eq3A_34 = arith.constant 0 : i32
    %eq3A_35 = arith.cmpi eq, %arg0, %eq3A_34 : i32
    %convert_element_type3A_36 = arith.extui %eq3A_35 : i1 to i32
    %cond3A = arith.constant 0 : i32
    %cond3A_37 = arith.cmpi ne, %convert_element_type3A_36, %cond3A : i32
    scf.if %cond3A_37 {
      %broadcast_in_dim3A_46 = arith.constant 0.000000e+00 : f32
      %broadcast_in_dim3A_47 = vector.broadcast %broadcast_in_dim3A_46 : f32 to vector<128x64xf32>
      %swap3A_48 = arith.constant 0 : index
      %swap3A_49 = arith.constant 0 : index
      %swap3A_50 = vector.load %arg6[%swap3A_48, %swap3A_49] : memref<128x64xf32, #tpu.memory_space<vmem>>, vector<128x64xf32>
      tpu.vector_store %arg6[%swap3A_48, %swap3A_49], %broadcast_in_dim3A_47 {strides = array<i32>} : memref<128x64xf32, #tpu.memory_space<vmem>>, vector<128x64xf32>,
    } else {
    }
    %get3A_38 = arith.constant 0 : index
    %get3A_39 = arith.constant 0 : index
    %get3A_40 = vector.load %arg6[%get3A_38, %get3A_39] : memref<128x64xf32, #tpu.memory_space<vmem>>, vector<128x64xf32>
    %mul3A_41 = arith.mulf %sub3A, %sub3A : vector<1000x64xf32>
    %dot_general3A_42 = arith.constant dense<0.000000e+00> : vector<128x64xf32>
    %dot_general3A_43 = tpu.matmul %convert_element_type3A_33, %mul3A_41, %dot_general3A_42 {dimension_numbers = #tpu.dot_dimension_numbers<[1], [0], [0], [1], [0, 0, 1, 1], [], []>, precision = #tpu.contract_precision<fp32>, transpose_lhs_hint = false} : vector<128x1000xf32>, vector<1000x64xf32>, vector<128x64xf32> -> vector<128x64xf32>
    %add3A = arith.addf %get3A_40, %dot_general3A_43 : vector<128x64xf32>
    %swap3A = arith.constant 0 : index
    %swap3A_44 = arith.constant 0 : index
    %swap3A_45 = vector.load %arg6[%swap3A, %swap3A_44] : memref<128x64xf32, #tpu.memory_space<vmem>>, vector<128x64xf32>
    tpu.vector_store %arg6[%swap3A, %swap3A_44], %add3A {strides = array<i32>} : memref<128x64xf32, #tpu.memory_space<vmem>>, vector<128x64xf32>,
    return
  }
  func.func @transform_0(%arg0: i32) -> (i32, i32) {
    %c0_i32 = arith.constant 0 : i32
    %c0_i32_0 = arith.constant 0 : i32
    return %arg0, %c0_i32 : i32, i32
  }
  func.func @transform_1(%arg0: i32) -> (i32, i32) {
    %c0_i32 = arith.constant 0 : i32
    %c0_i32_0 = arith.constant 0 : i32
    %c0_i32_1 = arith.constant 0 : i32
    return %c0_i32, %c0_i32_0 : i32, i32
  }
  func.func @transform_2(%arg0: i32) -> (i32, i32) {
    %c0_i32 = arith.constant 0 : i32
    %c0_i32_0 = arith.constant 0 : i32
    %c0_i32_1 = arith.constant 0 : i32
    return %c0_i32, %c0_i32_0 : i32, i32
  }
  func.func @transform_3(%arg0: i32) -> (i32, i32, i32) {
    %c0_i32 = arith.constant 0 : i32
    %c0_i32_0 = arith.constant 0 : i32
    %c0_i32_1 = arith.constant 0 : i32
    return %arg0, %c0_i32, %c0_i32_0 : i32, i32, i32
  }
  func.func @transform_4(%arg0: i32) -> (i32, i32, i32) {
    %c0_i32 = arith.constant 0 : i32
    %c0_i32_0 = arith.constant 0 : i32
    %c0_i32_1 = arith.constant 0 : i32
    return %arg0, %c0_i32, %c0_i32_0 : i32, i32, i32
  }
  func.func @transform_5(%arg0: i32) -> (i32, i32) {
    %c0_i32 = arith.constant 0 : i32
    %c0_i32_0 = arith.constant 0 : i32
    %c0_i32_1 = arith.constant 0 : i32
    return %c0_i32, %c0_i32_0 : i32, i32
  }
}

module attributes {stable_mosaic.version = 14 : i64} {
  func.func @body(%arg0: i32, %arg1: memref<1000x64xf32, #tpu.memory_space<vmem>>, %arg2: memref<128x64xf32, #tpu.memory_space<vmem>>, %arg3: memref<128x64xf32, #tpu.memory_space<vmem>>, %arg4: memref<1x128xf32, #tpu.memory_space<vmem>>, %arg5: memref<1x64xf32, #tpu.memory_space<vmem>>, %arg6: memref<1x64xf32, #tpu.memory_space<vmem>>, %arg7: memref<1x1000x1xi32, #tpu.memory_space<vmem>>, %arg8: memref<1000x64xf32, #tpu.memory_space<vmem>>, %arg9: memref<1000x64xi32, #tpu.memory_space<vmem>>) attributes {dimension_semantics = [#tpu.dimension_semantics<arbitrary>], iteration_bounds = array<i64: 20>, scalar_prefetch = 0 : i64, scratch_operands = 0 : i64, tpu.core_type = #tpu.core_type<tc>, window_params = [{transform_indices = @transform_0, window_bounds = array<i64: 1000, 64>}, {pipeline_mode = #tpu.pipeline_mode<synchronous>, transform_indices = @transform_1, window_bounds = array<i64: 128, 64>}, {pipeline_mode = #tpu.pipeline_mode<synchronous>, transform_indices = @transform_2, window_bounds = array<i64: 128, 64>}, {pipeline_mode = #tpu.pipeline_mode<synchronous>, transform_indices = @transform_3, window_bounds = array<i64: 1, 128>}, {pipeline_mode = #tpu.pipeline_mode<synchronous>, transform_indices = @transform_4, window_bounds = array<i64: 1, 64>}, {pipeline_mode = #tpu.pipeline_mode<synchronous>, transform_indices = @transform_5, window_bounds = array<i64: 1, 64>}, {transform_indices = @transform_6, window_bounds = array<i64: 1, 1000, 1>}, {transform_indices = @transform_7, window_bounds = array<i64: 1000, 64>}, {transform_indices = @transform_8, window_bounds = array<i64: 1000, 64>}]} {
    %get3A = arith.constant 0 : index
    %get3A_0 = arith.constant 0 : index
    %get3A_1 = vector.load %arg4[%get3A, %get3A_0] : memref<1x128xf32, #tpu.memory_space<vmem>>, vector<1x128xf32>
    %get3A_2 = vector.shape_cast %get3A_1 : vector<1x128xf32> to vector<128xf32>
    %max3A = arith.constant 1.000000e+00 : f32
    %max3A_3 = vector.broadcast %max3A : f32 to vector<128xf32>
    %max3A_4 = arith.maximumf %get3A_2, %max3A_3 : vector<128xf32>
    %mul3A = arith.constant 6.400000e+01 : f32
    %mul3A_5 = vector.broadcast %mul3A : f32 to vector<128xf32>
    %mul3A_6 = arith.mulf %max3A_4, %mul3A_5 : vector<128xf32>
    %get3A_7 = arith.constant 0 : index
    %get3A_8 = arith.constant 0 : index
    %get3A_9 = vector.load %arg2[%get3A_7, %get3A_8] : memref<128x64xf32, #tpu.memory_space<vmem>>, vector<128x64xf32>
    %reduce_sum3A = arith.constant dense<0.000000e+00> : vector<128xf32>
    %reduce_sum3A_10 = vector.multi_reduction <add>, %get3A_9, %reduce_sum3A [1] : vector<128x64xf32> to vector<128xf32>
    %div3A = arith.divf %reduce_sum3A_10, %mul3A_6 : vector<128xf32>
    %get3A_11 = arith.constant 0 : index
    %get3A_12 = arith.constant 0 : index
    %get3A_13 = vector.load %arg3[%get3A_11, %get3A_12] : memref<128x64xf32, #tpu.memory_space<vmem>>, vector<128x64xf32>
    %reduce_sum3A_14 = arith.constant dense<0.000000e+00> : vector<128xf32>
    %reduce_sum3A_15 = vector.multi_reduction <add>, %get3A_13, %reduce_sum3A_14 [1] : vector<128x64xf32> to vector<128xf32>
    %div3A_16 = arith.divf %reduce_sum3A_15, %mul3A_6 : vector<128xf32>
    %add3A = arith.constant 9.99999974E-6 : f32
    %add3A_17 = vector.broadcast %add3A : f32 to vector<128xf32>
    %add3A_18 = arith.addf %div3A_16, %add3A_17 : vector<128xf32>
    %rsqrt3A = math.rsqrt %add3A_18 : vector<128xf32>
    %mul3A_19 = arith.constant 5.000000e-01 : f32
    %mul3A_20 = vector.broadcast %mul3A_19 : f32 to vector<128xf32>
    %mul3A_21 = arith.mulf %mul3A_20, %add3A_18 : vector<128xf32>
    %mul3A_22 = arith.mulf %mul3A_21, %rsqrt3A : vector<128xf32>
    %mul3A_23 = arith.mulf %mul3A_22, %rsqrt3A : vector<128xf32>
    %sub3A = arith.constant 1.500000e+00 : f32
    %sub3A_24 = vector.broadcast %sub3A : f32 to vector<128xf32>
    %sub3A_25 = arith.subf %sub3A_24, %mul3A_23 : vector<128xf32>
    %mul3A_26 = arith.mulf %rsqrt3A, %sub3A_25 : vector<128xf32>
    %broadcast_in_dim3A = vector.shape_cast %div3A : vector<128xf32> to vector<128x1xf32>
    %broadcast_in_dim3A_27 = vector.shape_cast %broadcast_in_dim3A : vector<128x1xf32> to vector<128x1xf32>
    %broadcast_in_dim3A_28 = vector.broadcast %broadcast_in_dim3A_27 : vector<128x1xf32> to vector<128x64xf32>
    %broadcast_in_dim3A_29 = vector.shape_cast %mul3A_26 : vector<128xf32> to vector<128x1xf32>
    %broadcast_in_dim3A_30 = vector.shape_cast %broadcast_in_dim3A_29 : vector<128x1xf32> to vector<128x1xf32>
    %broadcast_in_dim3A_31 = vector.broadcast %broadcast_in_dim3A_30 : vector<128x1xf32> to vector<128x64xf32>
    %iota3A = tpu.iota {dimensions = array<i32: 1>} : vector<1000x128xi32>
    %get3A_32 = arith.constant 0 : index
    %get3A_33 = arith.constant 0 : index
    %get3A_34 = arith.constant 0 : index
    %get3A_35 = vector.load %arg7[%get3A_32, %get3A_33, %get3A_34] : memref<1x1000x1xi32, #tpu.memory_space<vmem>>, vector<1x1000x1xi32>
    %get3A_36 = vector.shape_cast %get3A_35 : vector<1x1000x1xi32> to vector<1000x1xi32>
    %eq3A = vector.broadcast %get3A_36 : vector<1000x1xi32> to vector<1000x128xi32>
    %eq3A_37 = arith.cmpi eq, %iota3A, %eq3A : vector<1000x128xi32>
    %convert_element_type3A = arith.extui %eq3A_37 : vector<1000x128xi1> to vector<1000x128xi32>
    %convert_element_type3A_38 = arith.sitofp %convert_element_type3A : vector<1000x128xi32> to vector<1000x128xf32>
    %dot_general3A = arith.constant dense<0.000000e+00> : vector<1000x64xf32>
    %dot_general3A_39 = tpu.matmul %convert_element_type3A_38, %broadcast_in_dim3A_28, %dot_general3A {dimension_numbers = #tpu.dot_dimension_numbers<[1], [0], [0], [1], [0, 0, 1, 1], [], []>, precision = #tpu.contract_precision<fp32>, transpose_lhs_hint = false} : vector<1000x128xf32>, vector<128x64xf32>, vector<1000x64xf32> -> vector<1000x64xf32>
    %dot_general3A_40 = arith.constant dense<0.000000e+00> : vector<1000x64xf32>
    %dot_general3A_41 = tpu.matmul %convert_element_type3A_38, %broadcast_in_dim3A_31, %dot_general3A_40 {dimension_numbers = #tpu.dot_dimension_numbers<[1], [0], [0], [1], [0, 0, 1, 1], [], []>, precision = #tpu.contract_precision<fp32>, transpose_lhs_hint = false} : vector<1000x128xf32>, vector<128x64xf32>, vector<1000x64xf32> -> vector<1000x64xf32>
    %get3A_42 = arith.constant 0 : index
    %get3A_43 = arith.constant 0 : index
    %get3A_44 = vector.load %arg1[%get3A_42, %get3A_43] : memref<1000x64xf32, #tpu.memory_space<vmem>>, vector<1000x64xf32>
    %sub3A_45 = arith.subf %get3A_44, %dot_general3A_39 : vector<1000x64xf32>
    %mul3A_46 = arith.mulf %sub3A_45, %dot_general3A_41 : vector<1000x64xf32>
    %get3A_47 = arith.constant 0 : index
    %get3A_48 = arith.constant 0 : index
    %get3A_49 = vector.load %arg5[%get3A_47, %get3A_48] : memref<1x64xf32, #tpu.memory_space<vmem>>, vector<1x64xf32>
    %mul3A_50 = vector.broadcast %get3A_49 : vector<1x64xf32> to vector<1000x64xf32>
    %mul3A_51 = arith.mulf %mul3A_46, %mul3A_50 : vector<1000x64xf32>
    %get3A_52 = arith.constant 0 : index
    %get3A_53 = arith.constant 0 : index
    %get3A_54 = vector.load %arg6[%get3A_52, %get3A_53] : memref<1x64xf32, #tpu.memory_space<vmem>>, vector<1x64xf32>
    %add3A_55 = vector.broadcast %get3A_54 : vector<1x64xf32> to vector<1000x64xf32>
    %add3A_56 = arith.addf %mul3A_51, %add3A_55 : vector<1000x64xf32>
    %max3A_57 = arith.constant 0.000000e+00 : f32
    %max3A_58 = vector.broadcast %max3A_57 : f32 to vector<1000x64xf32>
    %max3A_59 = arith.maximumf %add3A_56, %max3A_58 : vector<1000x64xf32>
    %swap3A = arith.constant 0 : index
    %swap3A_60 = arith.constant 0 : index
    %swap3A_61 = vector.load %arg8[%swap3A, %swap3A_60] : memref<1000x64xf32, #tpu.memory_space<vmem>>, vector<1000x64xf32>
    tpu.vector_store %arg8[%swap3A, %swap3A_60], %max3A_59 {strides = array<i32>} : memref<1000x64xf32, #tpu.memory_space<vmem>>, vector<1000x64xf32>,
    %mul3A_62 = arith.constant 0x49800000 : f32
    %mul3A_63 = vector.broadcast %mul3A_62 : f32 to vector<1000x64xf32>
    %mul3A_64 = arith.mulf %max3A_59, %mul3A_63 : vector<1000x64xf32>
    %ge3A = arith.constant 0.000000e+00 : f32
    %ge3A_65 = vector.broadcast %ge3A : f32 to vector<1000x64xf32>
    %ge3A_66 = arith.cmpf oge, %mul3A_64, %ge3A_65 : vector<1000x64xf32>
    %add3A_67 = arith.constant 5.000000e-01 : f32
    %add3A_68 = vector.broadcast %add3A_67 : f32 to vector<1000x64xf32>
    %add3A_69 = arith.addf %mul3A_64, %add3A_68 : vector<1000x64xf32>
    %sub3A_70 = arith.constant 5.000000e-01 : f32
    %sub3A_71 = vector.broadcast %sub3A_70 : f32 to vector<1000x64xf32>
    %sub3A_72 = arith.subf %mul3A_64, %sub3A_71 : vector<1000x64xf32>
    %select_n3A = arith.select %ge3A_66, %add3A_69, %sub3A_72 : vector<1000x64xi1>, vector<1000x64xf32>
    %convert_element_type3A_73 = arith.fptosi %select_n3A : vector<1000x64xf32> to vector<1000x64xi32>
    %swap3A_74 = arith.constant 0 : index
    %swap3A_75 = arith.constant 0 : index
    %swap3A_76 = vector.load %arg9[%swap3A_74, %swap3A_75] : memref<1000x64xi32, #tpu.memory_space<vmem>>, vector<1000x64xi32>
    tpu.vector_store %arg9[%swap3A_74, %swap3A_75], %convert_element_type3A_73 {strides = array<i32>} : memref<1000x64xi32, #tpu.memory_space<vmem>>, vector<1000x64xi32>,
    return
  }
  func.func @transform_0(%arg0: i32) -> (i32, i32) {
    %c0_i32 = arith.constant 0 : i32
    %c0_i32_0 = arith.constant 0 : i32
    return %arg0, %c0_i32 : i32, i32
  }
  func.func @transform_1(%arg0: i32) -> (i32, i32) {
    %c0_i32 = arith.constant 0 : i32
    %c0_i32_0 = arith.constant 0 : i32
    %c0_i32_1 = arith.constant 0 : i32
    return %c0_i32, %c0_i32_0 : i32, i32
  }
  func.func @transform_2(%arg0: i32) -> (i32, i32) {
    %c0_i32 = arith.constant 0 : i32
    %c0_i32_0 = arith.constant 0 : i32
    %c0_i32_1 = arith.constant 0 : i32
    return %c0_i32, %c0_i32_0 : i32, i32
  }
  func.func @transform_3(%arg0: i32) -> (i32, i32) {
    %c0_i32 = arith.constant 0 : i32
    %c0_i32_0 = arith.constant 0 : i32
    %c0_i32_1 = arith.constant 0 : i32
    return %c0_i32, %c0_i32_0 : i32, i32
  }
  func.func @transform_4(%arg0: i32) -> (i32, i32) {
    %c0_i32 = arith.constant 0 : i32
    %c0_i32_0 = arith.constant 0 : i32
    %c0_i32_1 = arith.constant 0 : i32
    return %c0_i32, %c0_i32_0 : i32, i32
  }
  func.func @transform_5(%arg0: i32) -> (i32, i32) {
    %c0_i32 = arith.constant 0 : i32
    %c0_i32_0 = arith.constant 0 : i32
    %c0_i32_1 = arith.constant 0 : i32
    return %c0_i32, %c0_i32_0 : i32, i32
  }
  func.func @transform_6(%arg0: i32) -> (i32, i32, i32) {
    %c0_i32 = arith.constant 0 : i32
    %c0_i32_0 = arith.constant 0 : i32
    %c0_i32_1 = arith.constant 0 : i32
    return %arg0, %c0_i32, %c0_i32_0 : i32, i32, i32
  }
  func.func @transform_7(%arg0: i32) -> (i32, i32) {
    %c0_i32 = arith.constant 0 : i32
    %c0_i32_0 = arith.constant 0 : i32
    return %arg0, %c0_i32 : i32, i32
  }
  func.func @transform_8(%arg0: i32) -> (i32, i32) {
    %c0_i32 = arith.constant 0 : i32
    %c0_i32_0 = arith.constant 0 : i32
    return %arg0, %c0_i32 : i32, i32
  }
}

module attributes {stable_mosaic.version = 14 : i64} {
  func.func @body(%arg0: i32, %arg1: memref<1000x64xf32, #tpu.memory_space<vmem>>, %arg2: memref<1000x64xi32, #tpu.memory_space<vmem>>, %arg3: memref<64x64xf32, #tpu.memory_space<vmem>>, %arg4: memref<1x64xf32, #tpu.memory_space<vmem>>, %arg5: memref<64x64xf32, #tpu.memory_space<vmem>>, %arg6: memref<1x64xf32, #tpu.memory_space<vmem>>, %arg7: memref<1x1x1000xi32, #tpu.memory_space<vmem>>, %arg8: memref<1000x64xf32, #tpu.memory_space<vmem>>, %arg9: memref<128x64xf32, #tpu.memory_space<vmem>>, %arg10: memref<1x128xf32, #tpu.memory_space<vmem>>) attributes {dimension_semantics = [#tpu.dimension_semantics<arbitrary>], iteration_bounds = array<i64: 20>, scalar_prefetch = 0 : i64, scratch_operands = 0 : i64, tpu.core_type = #tpu.core_type<tc>, window_params = [{transform_indices = @transform_0, window_bounds = array<i64: 1000, 64>}, {transform_indices = @transform_1, window_bounds = array<i64: 1000, 64>}, {pipeline_mode = #tpu.pipeline_mode<synchronous>, transform_indices = @transform_2, window_bounds = array<i64: 64, 64>}, {pipeline_mode = #tpu.pipeline_mode<synchronous>, transform_indices = @transform_3, window_bounds = array<i64: 1, 64>}, {pipeline_mode = #tpu.pipeline_mode<synchronous>, transform_indices = @transform_4, window_bounds = array<i64: 64, 64>}, {pipeline_mode = #tpu.pipeline_mode<synchronous>, transform_indices = @transform_5, window_bounds = array<i64: 1, 64>}, {transform_indices = @transform_6, window_bounds = array<i64: 1, 1, 1000>}, {transform_indices = @transform_7, window_bounds = array<i64: 1000, 64>}, {pipeline_mode = #tpu.pipeline_mode<synchronous>, transform_indices = @transform_8, window_bounds = array<i64: 128, 64>}, {pipeline_mode = #tpu.pipeline_mode<synchronous>, transform_indices = @transform_9, window_bounds = array<i64: 1, 128>}]} {
    %get3A = arith.constant 0 : index
    %get3A_0 = arith.constant 0 : index
    %get3A_1 = vector.load %arg1[%get3A, %get3A_0] : memref<1000x64xf32, #tpu.memory_space<vmem>>, vector<1000x64xf32>
    %get3A_2 = arith.constant 0 : index
    %get3A_3 = arith.constant 0 : index
    %get3A_4 = vector.load %arg2[%get3A_2, %get3A_3] : memref<1000x64xi32, #tpu.memory_space<vmem>>, vector<1000x64xi32>
    %convert_element_type3A = arith.sitofp %get3A_4 : vector<1000x64xi32> to vector<1000x64xf32>
    %mul3A = arith.constant 9.53674316E-7 : f32
    %mul3A_5 = vector.broadcast %mul3A : f32 to vector<1000x64xf32>
    %mul3A_6 = arith.mulf %convert_element_type3A, %mul3A_5 : vector<1000x64xf32>
    %add3A = arith.addf %get3A_1, %mul3A_6 : vector<1000x64xf32>
    %get3A_7 = arith.constant 0 : index
    %get3A_8 = arith.constant 0 : index
    %get3A_9 = vector.load %arg3[%get3A_7, %get3A_8] : memref<64x64xf32, #tpu.memory_space<vmem>>, vector<64x64xf32>
    %convert_element_type3A_10 = arith.truncf %add3A : vector<1000x64xf32> to vector<1000x64xbf16>
    %convert_element_type3A_11 = arith.truncf %get3A_9 : vector<64x64xf32> to vector<64x64xbf16>
    %dot_general3A = arith.constant dense<0.000000e+00> : vector<1000x64xf32>
    %dot_general3A_12 = tpu.matmul %convert_element_type3A_10, %convert_element_type3A_11, %dot_general3A {dimension_numbers = #tpu.dot_dimension_numbers<[1], [0], [0], [1], [0, 0, 1, 1], [], []>, transpose_lhs_hint = false} : vector<1000x64xbf16>, vector<64x64xbf16>, vector<1000x64xf32> -> vector<1000x64xf32>
    %get3A_13 = arith.constant 0 : index
    %get3A_14 = arith.constant 0 : index
    %get3A_15 = vector.load %arg4[%get3A_13, %get3A_14] : memref<1x64xf32, #tpu.memory_space<vmem>>, vector<1x64xf32>
    %add3A_16 = vector.broadcast %get3A_15 : vector<1x64xf32> to vector<1000x64xf32>
    %add3A_17 = arith.addf %dot_general3A_12, %add3A_16 : vector<1000x64xf32>
    %max3A = arith.constant 0.000000e+00 : f32
    %max3A_18 = vector.broadcast %max3A : f32 to vector<1000x64xf32>
    %max3A_19 = arith.maximumf %add3A_17, %max3A_18 : vector<1000x64xf32>
    %get3A_20 = arith.constant 0 : index
    %get3A_21 = arith.constant 0 : index
    %get3A_22 = vector.load %arg5[%get3A_20, %get3A_21] : memref<64x64xf32, #tpu.memory_space<vmem>>, vector<64x64xf32>
    %convert_element_type3A_23 = arith.truncf %max3A_19 : vector<1000x64xf32> to vector<1000x64xbf16>
    %convert_element_type3A_24 = arith.truncf %get3A_22 : vector<64x64xf32> to vector<64x64xbf16>
    %dot_general3A_25 = arith.constant dense<0.000000e+00> : vector<1000x64xf32>
    %dot_general3A_26 = tpu.matmul %convert_element_type3A_23, %convert_element_type3A_24, %dot_general3A_25 {dimension_numbers = #tpu.dot_dimension_numbers<[1], [0], [0], [1], [0, 0, 1, 1], [], []>, transpose_lhs_hint = false} : vector<1000x64xbf16>, vector<64x64xbf16>, vector<1000x64xf32> -> vector<1000x64xf32>
    %get3A_27 = arith.constant 0 : index
    %get3A_28 = arith.constant 0 : index
    %get3A_29 = vector.load %arg6[%get3A_27, %get3A_28] : memref<1x64xf32, #tpu.memory_space<vmem>>, vector<1x64xf32>
    %add3A_30 = vector.broadcast %get3A_29 : vector<1x64xf32> to vector<1000x64xf32>
    %add3A_31 = arith.addf %dot_general3A_26, %add3A_30 : vector<1000x64xf32>
    %swap3A = arith.constant 0 : index
    %swap3A_32 = arith.constant 0 : index
    %swap3A_33 = vector.load %arg8[%swap3A, %swap3A_32] : memref<1000x64xf32, #tpu.memory_space<vmem>>, vector<1000x64xf32>
    tpu.vector_store %arg8[%swap3A, %swap3A_32], %add3A_31 {strides = array<i32>} : memref<1000x64xf32, #tpu.memory_space<vmem>>, vector<1000x64xf32>,
    %iota3A = tpu.iota {dimensions = array<i32: 0>} : vector<128x1000xi32>
    %get3A_34 = arith.constant 0 : index
    %get3A_35 = arith.constant 0 : index
    %get3A_36 = arith.constant 0 : index
    %get3A_37 = vector.load %arg7[%get3A_34, %get3A_35, %get3A_36] : memref<1x1x1000xi32, #tpu.memory_space<vmem>>, vector<1x1x1000xi32>
    %get3A_38 = vector.shape_cast %get3A_37 : vector<1x1x1000xi32> to vector<1x1000xi32>
    %eq3A = vector.broadcast %get3A_38 : vector<1x1000xi32> to vector<128x1000xi32>
    %eq3A_39 = arith.cmpi eq, %iota3A, %eq3A : vector<128x1000xi32>
    %convert_element_type3A_40 = arith.extui %eq3A_39 : vector<128x1000xi1> to vector<128x1000xi32>
    %convert_element_type3A_41 = arith.sitofp %convert_element_type3A_40 : vector<128x1000xi32> to vector<128x1000xf32>
    %eq3A_42 = arith.constant 0 : i32
    %eq3A_43 = arith.cmpi eq, %arg0, %eq3A_42 : i32
    %convert_element_type3A_44 = arith.extui %eq3A_43 : i1 to i32
    %cond3A = arith.constant 0 : i32
    %cond3A_45 = arith.cmpi ne, %convert_element_type3A_44, %cond3A : i32
    scf.if %cond3A_45 {
      %broadcast_in_dim3A_63 = arith.constant 0.000000e+00 : f32
      %broadcast_in_dim3A_64 = vector.broadcast %broadcast_in_dim3A_63 : f32 to vector<128x64xf32>
      %swap3A_65 = arith.constant 0 : index
      %swap3A_66 = arith.constant 0 : index
      %swap3A_67 = vector.load %arg9[%swap3A_65, %swap3A_66] : memref<128x64xf32, #tpu.memory_space<vmem>>, vector<128x64xf32>
      tpu.vector_store %arg9[%swap3A_65, %swap3A_66], %broadcast_in_dim3A_64 {strides = array<i32>} : memref<128x64xf32, #tpu.memory_space<vmem>>, vector<128x64xf32>,
      %broadcast_in_dim3A_68 = arith.constant 0.000000e+00 : f32
      %broadcast_in_dim3A_69 = vector.broadcast %broadcast_in_dim3A_68 : f32 to vector<1x128xf32>
      %swap3A_70 = arith.constant 0 : index
      %swap3A_71 = arith.constant 0 : index
      %swap3A_72 = vector.load %arg10[%swap3A_70, %swap3A_71] : memref<1x128xf32, #tpu.memory_space<vmem>>, vector<1x128xf32>
      tpu.vector_store %arg10[%swap3A_70, %swap3A_71], %broadcast_in_dim3A_69 {strides = array<i32>} : memref<1x128xf32, #tpu.memory_space<vmem>>, vector<1x128xf32>,
    } else {
    }
    %get3A_46 = arith.constant 0 : index
    %get3A_47 = arith.constant 0 : index
    %get3A_48 = vector.load %arg9[%get3A_46, %get3A_47] : memref<128x64xf32, #tpu.memory_space<vmem>>, vector<128x64xf32>
    %dot_general3A_49 = arith.constant dense<0.000000e+00> : vector<128x64xf32>
    %dot_general3A_50 = tpu.matmul %convert_element_type3A_41, %add3A_31, %dot_general3A_49 {dimension_numbers = #tpu.dot_dimension_numbers<[1], [0], [0], [1], [0, 0, 1, 1], [], []>, precision = #tpu.contract_precision<fp32>, transpose_lhs_hint = false} : vector<128x1000xf32>, vector<1000x64xf32>, vector<128x64xf32> -> vector<128x64xf32>
    %add3A_51 = arith.addf %get3A_48, %dot_general3A_50 : vector<128x64xf32>
    %swap3A_52 = arith.constant 0 : index
    %swap3A_53 = arith.constant 0 : index
    %swap3A_54 = vector.load %arg9[%swap3A_52, %swap3A_53] : memref<128x64xf32, #tpu.memory_space<vmem>>, vector<128x64xf32>
    tpu.vector_store %arg9[%swap3A_52, %swap3A_53], %add3A_51 {strides = array<i32>} : memref<128x64xf32, #tpu.memory_space<vmem>>, vector<128x64xf32>,
    %get3A_55 = arith.constant 0 : index
    %get3A_56 = arith.constant 0 : index
    %get3A_57 = vector.load %arg10[%get3A_55, %get3A_56] : memref<1x128xf32, #tpu.memory_space<vmem>>, vector<1x128xf32>
    %reduce_sum3A = arith.constant dense<0.000000e+00> : vector<128xf32>
    %reduce_sum3A_58 = vector.multi_reduction <add>, %convert_element_type3A_41, %reduce_sum3A [1] : vector<128x1000xf32> to vector<128xf32>
    %broadcast_in_dim3A = vector.shape_cast %reduce_sum3A_58 : vector<128xf32> to vector<1x128xf32>
    %add3A_59 = arith.addf %get3A_57, %broadcast_in_dim3A : vector<1x128xf32>
    %swap3A_60 = arith.constant 0 : index
    %swap3A_61 = arith.constant 0 : index
    %swap3A_62 = vector.load %arg10[%swap3A_60, %swap3A_61] : memref<1x128xf32, #tpu.memory_space<vmem>>, vector<1x128xf32>
    tpu.vector_store %arg10[%swap3A_60, %swap3A_61], %add3A_59 {strides = array<i32>} : memref<1x128xf32, #tpu.memory_space<vmem>>, vector<1x128xf32>,
    return
  }
  func.func @transform_0(%arg0: i32) -> (i32, i32) {
    %c0_i32 = arith.constant 0 : i32
    %c0_i32_0 = arith.constant 0 : i32
    return %arg0, %c0_i32 : i32, i32
  }
  func.func @transform_1(%arg0: i32) -> (i32, i32) {
    %c0_i32 = arith.constant 0 : i32
    %c0_i32_0 = arith.constant 0 : i32
    return %arg0, %c0_i32 : i32, i32
  }
  func.func @transform_2(%arg0: i32) -> (i32, i32) {
    %c0_i32 = arith.constant 0 : i32
    %c0_i32_0 = arith.constant 0 : i32
    %c0_i32_1 = arith.constant 0 : i32
    return %c0_i32, %c0_i32_0 : i32, i32
  }
  func.func @transform_3(%arg0: i32) -> (i32, i32) {
    %c0_i32 = arith.constant 0 : i32
    %c0_i32_0 = arith.constant 0 : i32
    %c0_i32_1 = arith.constant 0 : i32
    return %c0_i32, %c0_i32_0 : i32, i32
  }
  func.func @transform_4(%arg0: i32) -> (i32, i32) {
    %c0_i32 = arith.constant 0 : i32
    %c0_i32_0 = arith.constant 0 : i32
    %c0_i32_1 = arith.constant 0 : i32
    return %c0_i32, %c0_i32_0 : i32, i32
  }
  func.func @transform_5(%arg0: i32) -> (i32, i32) {
    %c0_i32 = arith.constant 0 : i32
    %c0_i32_0 = arith.constant 0 : i32
    %c0_i32_1 = arith.constant 0 : i32
    return %c0_i32, %c0_i32_0 : i32, i32
  }
  func.func @transform_6(%arg0: i32) -> (i32, i32, i32) {
    %c0_i32 = arith.constant 0 : i32
    %c0_i32_0 = arith.constant 0 : i32
    %c0_i32_1 = arith.constant 0 : i32
    return %arg0, %c0_i32, %c0_i32_0 : i32, i32, i32
  }
  func.func @transform_7(%arg0: i32) -> (i32, i32) {
    %c0_i32 = arith.constant 0 : i32
    %c0_i32_0 = arith.constant 0 : i32
    return %arg0, %c0_i32 : i32, i32
  }
  func.func @transform_8(%arg0: i32) -> (i32, i32) {
    %c0_i32 = arith.constant 0 : i32
    %c0_i32_0 = arith.constant 0 : i32
    %c0_i32_1 = arith.constant 0 : i32
    return %c0_i32, %c0_i32_0 : i32, i32
  }
  func.func @transform_9(%arg0: i32) -> (i32, i32) {
    %c0_i32 = arith.constant 0 : i32
    %c0_i32_0 = arith.constant 0 : i32
    %c0_i32_1 = arith.constant 0 : i32
    return %c0_i32, %c0_i32_0 : i32, i32
  }
}

module attributes {stable_mosaic.version = 14 : i64} {
  func.func @body(%arg0: i32, %arg1: memref<1000x64xf32, #tpu.memory_space<vmem>>, %arg2: memref<128x64xf32, #tpu.memory_space<vmem>>, %arg3: memref<128x64xf32, #tpu.memory_space<vmem>>, %arg4: memref<1x128xf32, #tpu.memory_space<vmem>>, %arg5: memref<1x64xf32, #tpu.memory_space<vmem>>, %arg6: memref<1x64xf32, #tpu.memory_space<vmem>>, %arg7: memref<1x1000x1xi32, #tpu.memory_space<vmem>>, %arg8: memref<1x1x1000xi32, #tpu.memory_space<vmem>>, %arg9: memref<128x64xf32, #tpu.memory_space<vmem>>) attributes {dimension_semantics = [#tpu.dimension_semantics<arbitrary>], iteration_bounds = array<i64: 20>, scalar_prefetch = 0 : i64, scratch_operands = 0 : i64, tpu.core_type = #tpu.core_type<tc>, window_params = [{transform_indices = @transform_0, window_bounds = array<i64: 1000, 64>}, {pipeline_mode = #tpu.pipeline_mode<synchronous>, transform_indices = @transform_1, window_bounds = array<i64: 128, 64>}, {pipeline_mode = #tpu.pipeline_mode<synchronous>, transform_indices = @transform_2, window_bounds = array<i64: 128, 64>}, {pipeline_mode = #tpu.pipeline_mode<synchronous>, transform_indices = @transform_3, window_bounds = array<i64: 1, 128>}, {pipeline_mode = #tpu.pipeline_mode<synchronous>, transform_indices = @transform_4, window_bounds = array<i64: 1, 64>}, {pipeline_mode = #tpu.pipeline_mode<synchronous>, transform_indices = @transform_5, window_bounds = array<i64: 1, 64>}, {transform_indices = @transform_6, window_bounds = array<i64: 1, 1000, 1>}, {transform_indices = @transform_7, window_bounds = array<i64: 1, 1, 1000>}, {pipeline_mode = #tpu.pipeline_mode<synchronous>, transform_indices = @transform_8, window_bounds = array<i64: 128, 64>}]} {
    %get3A = arith.constant 0 : index
    %get3A_0 = arith.constant 0 : index
    %get3A_1 = vector.load %arg4[%get3A, %get3A_0] : memref<1x128xf32, #tpu.memory_space<vmem>>, vector<1x128xf32>
    %get3A_2 = vector.shape_cast %get3A_1 : vector<1x128xf32> to vector<128xf32>
    %max3A = arith.constant 1.000000e+00 : f32
    %max3A_3 = vector.broadcast %max3A : f32 to vector<128xf32>
    %max3A_4 = arith.maximumf %get3A_2, %max3A_3 : vector<128xf32>
    %mul3A = arith.constant 6.400000e+01 : f32
    %mul3A_5 = vector.broadcast %mul3A : f32 to vector<128xf32>
    %mul3A_6 = arith.mulf %max3A_4, %mul3A_5 : vector<128xf32>
    %get3A_7 = arith.constant 0 : index
    %get3A_8 = arith.constant 0 : index
    %get3A_9 = vector.load %arg2[%get3A_7, %get3A_8] : memref<128x64xf32, #tpu.memory_space<vmem>>, vector<128x64xf32>
    %reduce_sum3A = arith.constant dense<0.000000e+00> : vector<128xf32>
    %reduce_sum3A_10 = vector.multi_reduction <add>, %get3A_9, %reduce_sum3A [1] : vector<128x64xf32> to vector<128xf32>
    %div3A = arith.divf %reduce_sum3A_10, %mul3A_6 : vector<128xf32>
    %get3A_11 = arith.constant 0 : index
    %get3A_12 = arith.constant 0 : index
    %get3A_13 = vector.load %arg3[%get3A_11, %get3A_12] : memref<128x64xf32, #tpu.memory_space<vmem>>, vector<128x64xf32>
    %reduce_sum3A_14 = arith.constant dense<0.000000e+00> : vector<128xf32>
    %reduce_sum3A_15 = vector.multi_reduction <add>, %get3A_13, %reduce_sum3A_14 [1] : vector<128x64xf32> to vector<128xf32>
    %div3A_16 = arith.divf %reduce_sum3A_15, %mul3A_6 : vector<128xf32>
    %add3A = arith.constant 9.99999974E-6 : f32
    %add3A_17 = vector.broadcast %add3A : f32 to vector<128xf32>
    %add3A_18 = arith.addf %div3A_16, %add3A_17 : vector<128xf32>
    %rsqrt3A = math.rsqrt %add3A_18 : vector<128xf32>
    %mul3A_19 = arith.constant 5.000000e-01 : f32
    %mul3A_20 = vector.broadcast %mul3A_19 : f32 to vector<128xf32>
    %mul3A_21 = arith.mulf %mul3A_20, %add3A_18 : vector<128xf32>
    %mul3A_22 = arith.mulf %mul3A_21, %rsqrt3A : vector<128xf32>
    %mul3A_23 = arith.mulf %mul3A_22, %rsqrt3A : vector<128xf32>
    %sub3A = arith.constant 1.500000e+00 : f32
    %sub3A_24 = vector.broadcast %sub3A : f32 to vector<128xf32>
    %sub3A_25 = arith.subf %sub3A_24, %mul3A_23 : vector<128xf32>
    %mul3A_26 = arith.mulf %rsqrt3A, %sub3A_25 : vector<128xf32>
    %broadcast_in_dim3A = vector.shape_cast %div3A : vector<128xf32> to vector<128x1xf32>
    %broadcast_in_dim3A_27 = vector.shape_cast %broadcast_in_dim3A : vector<128x1xf32> to vector<128x1xf32>
    %broadcast_in_dim3A_28 = vector.broadcast %broadcast_in_dim3A_27 : vector<128x1xf32> to vector<128x64xf32>
    %broadcast_in_dim3A_29 = vector.shape_cast %mul3A_26 : vector<128xf32> to vector<128x1xf32>
    %broadcast_in_dim3A_30 = vector.shape_cast %broadcast_in_dim3A_29 : vector<128x1xf32> to vector<128x1xf32>
    %broadcast_in_dim3A_31 = vector.broadcast %broadcast_in_dim3A_30 : vector<128x1xf32> to vector<128x64xf32>
    %iota3A = tpu.iota {dimensions = array<i32: 1>} : vector<1000x128xi32>
    %get3A_32 = arith.constant 0 : index
    %get3A_33 = arith.constant 0 : index
    %get3A_34 = arith.constant 0 : index
    %get3A_35 = vector.load %arg7[%get3A_32, %get3A_33, %get3A_34] : memref<1x1000x1xi32, #tpu.memory_space<vmem>>, vector<1x1000x1xi32>
    %get3A_36 = vector.shape_cast %get3A_35 : vector<1x1000x1xi32> to vector<1000x1xi32>
    %eq3A = vector.broadcast %get3A_36 : vector<1000x1xi32> to vector<1000x128xi32>
    %eq3A_37 = arith.cmpi eq, %iota3A, %eq3A : vector<1000x128xi32>
    %convert_element_type3A = arith.extui %eq3A_37 : vector<1000x128xi1> to vector<1000x128xi32>
    %convert_element_type3A_38 = arith.sitofp %convert_element_type3A : vector<1000x128xi32> to vector<1000x128xf32>
    %dot_general3A = arith.constant dense<0.000000e+00> : vector<1000x64xf32>
    %dot_general3A_39 = tpu.matmul %convert_element_type3A_38, %broadcast_in_dim3A_28, %dot_general3A {dimension_numbers = #tpu.dot_dimension_numbers<[1], [0], [0], [1], [0, 0, 1, 1], [], []>, precision = #tpu.contract_precision<fp32>, transpose_lhs_hint = false} : vector<1000x128xf32>, vector<128x64xf32>, vector<1000x64xf32> -> vector<1000x64xf32>
    %dot_general3A_40 = arith.constant dense<0.000000e+00> : vector<1000x64xf32>
    %dot_general3A_41 = tpu.matmul %convert_element_type3A_38, %broadcast_in_dim3A_31, %dot_general3A_40 {dimension_numbers = #tpu.dot_dimension_numbers<[1], [0], [0], [1], [0, 0, 1, 1], [], []>, precision = #tpu.contract_precision<fp32>, transpose_lhs_hint = false} : vector<1000x128xf32>, vector<128x64xf32>, vector<1000x64xf32> -> vector<1000x64xf32>
    %get3A_42 = arith.constant 0 : index
    %get3A_43 = arith.constant 0 : index
    %get3A_44 = vector.load %arg1[%get3A_42, %get3A_43] : memref<1000x64xf32, #tpu.memory_space<vmem>>, vector<1000x64xf32>
    %sub3A_45 = arith.subf %get3A_44, %dot_general3A_39 : vector<1000x64xf32>
    %mul3A_46 = arith.mulf %sub3A_45, %dot_general3A_41 : vector<1000x64xf32>
    %get3A_47 = arith.constant 0 : index
    %get3A_48 = arith.constant 0 : index
    %get3A_49 = vector.load %arg5[%get3A_47, %get3A_48] : memref<1x64xf32, #tpu.memory_space<vmem>>, vector<1x64xf32>
    %mul3A_50 = vector.broadcast %get3A_49 : vector<1x64xf32> to vector<1000x64xf32>
    %mul3A_51 = arith.mulf %mul3A_46, %mul3A_50 : vector<1000x64xf32>
    %get3A_52 = arith.constant 0 : index
    %get3A_53 = arith.constant 0 : index
    %get3A_54 = vector.load %arg6[%get3A_52, %get3A_53] : memref<1x64xf32, #tpu.memory_space<vmem>>, vector<1x64xf32>
    %add3A_55 = vector.broadcast %get3A_54 : vector<1x64xf32> to vector<1000x64xf32>
    %add3A_56 = arith.addf %mul3A_51, %add3A_55 : vector<1000x64xf32>
    %max3A_57 = arith.constant 0.000000e+00 : f32
    %max3A_58 = vector.broadcast %max3A_57 : f32 to vector<1000x64xf32>
    %max3A_59 = arith.maximumf %add3A_56, %max3A_58 : vector<1000x64xf32>
    %iota3A_60 = tpu.iota {dimensions = array<i32: 0>} : vector<128x1000xi32>
    %get3A_61 = arith.constant 0 : index
    %get3A_62 = arith.constant 0 : index
    %get3A_63 = arith.constant 0 : index
    %get3A_64 = vector.load %arg8[%get3A_61, %get3A_62, %get3A_63] : memref<1x1x1000xi32, #tpu.memory_space<vmem>>, vector<1x1x1000xi32>
    %get3A_65 = vector.shape_cast %get3A_64 : vector<1x1x1000xi32> to vector<1x1000xi32>
    %eq3A_66 = vector.broadcast %get3A_65 : vector<1x1000xi32> to vector<128x1000xi32>
    %eq3A_67 = arith.cmpi eq, %iota3A_60, %eq3A_66 : vector<128x1000xi32>
    %convert_element_type3A_68 = arith.extui %eq3A_67 : vector<128x1000xi1> to vector<128x1000xi32>
    %convert_element_type3A_69 = arith.sitofp %convert_element_type3A_68 : vector<128x1000xi32> to vector<128x1000xf32>
    %eq3A_70 = arith.constant 0 : i32
    %eq3A_71 = arith.cmpi eq, %arg0, %eq3A_70 : i32
    %convert_element_type3A_72 = arith.extui %eq3A_71 : i1 to i32
    %cond3A = arith.constant 0 : i32
    %cond3A_73 = arith.cmpi ne, %convert_element_type3A_72, %cond3A : i32
    scf.if %cond3A_73 {
      %broadcast_in_dim3A_82 = arith.constant 0.000000e+00 : f32
      %broadcast_in_dim3A_83 = vector.broadcast %broadcast_in_dim3A_82 : f32 to vector<128x64xf32>
      %swap3A_84 = arith.constant 0 : index
      %swap3A_85 = arith.constant 0 : index
      %swap3A_86 = vector.load %arg9[%swap3A_84, %swap3A_85] : memref<128x64xf32, #tpu.memory_space<vmem>>, vector<128x64xf32>
      tpu.vector_store %arg9[%swap3A_84, %swap3A_85], %broadcast_in_dim3A_83 {strides = array<i32>} : memref<128x64xf32, #tpu.memory_space<vmem>>, vector<128x64xf32>,
    } else {
    }
    %get3A_74 = arith.constant 0 : index
    %get3A_75 = arith.constant 0 : index
    %get3A_76 = vector.load %arg9[%get3A_74, %get3A_75] : memref<128x64xf32, #tpu.memory_space<vmem>>, vector<128x64xf32>
    %dot_general3A_77 = arith.constant dense<0.000000e+00> : vector<128x64xf32>
    %dot_general3A_78 = tpu.matmul %convert_element_type3A_69, %max3A_59, %dot_general3A_77 {dimension_numbers = #tpu.dot_dimension_numbers<[1], [0], [0], [1], [0, 0, 1, 1], [], []>, precision = #tpu.contract_precision<fp32>, transpose_lhs_hint = false} : vector<128x1000xf32>, vector<1000x64xf32>, vector<128x64xf32> -> vector<128x64xf32>
    %add3A_79 = arith.addf %get3A_76, %dot_general3A_78 : vector<128x64xf32>
    %swap3A = arith.constant 0 : index
    %swap3A_80 = arith.constant 0 : index
    %swap3A_81 = vector.load %arg9[%swap3A, %swap3A_80] : memref<128x64xf32, #tpu.memory_space<vmem>>, vector<128x64xf32>
    tpu.vector_store %arg9[%swap3A, %swap3A_80], %add3A_79 {strides = array<i32>} : memref<128x64xf32, #tpu.memory_space<vmem>>, vector<128x64xf32>,
    return
  }
  func.func @transform_0(%arg0: i32) -> (i32, i32) {
    %c0_i32 = arith.constant 0 : i32
    %c0_i32_0 = arith.constant 0 : i32
    return %arg0, %c0_i32 : i32, i32
  }
  func.func @transform_1(%arg0: i32) -> (i32, i32) {
    %c0_i32 = arith.constant 0 : i32
    %c0_i32_0 = arith.constant 0 : i32
    %c0_i32_1 = arith.constant 0 : i32
    return %c0_i32, %c0_i32_0 : i32, i32
  }
  func.func @transform_2(%arg0: i32) -> (i32, i32) {
    %c0_i32 = arith.constant 0 : i32
    %c0_i32_0 = arith.constant 0 : i32
    %c0_i32_1 = arith.constant 0 : i32
    return %c0_i32, %c0_i32_0 : i32, i32
  }
  func.func @transform_3(%arg0: i32) -> (i32, i32) {
    %c0_i32 = arith.constant 0 : i32
    %c0_i32_0 = arith.constant 0 : i32
    %c0_i32_1 = arith.constant 0 : i32
    return %c0_i32, %c0_i32_0 : i32, i32
  }
  func.func @transform_4(%arg0: i32) -> (i32, i32) {
    %c0_i32 = arith.constant 0 : i32
    %c0_i32_0 = arith.constant 0 : i32
    %c0_i32_1 = arith.constant 0 : i32
    return %c0_i32, %c0_i32_0 : i32, i32
  }
  func.func @transform_5(%arg0: i32) -> (i32, i32) {
    %c0_i32 = arith.constant 0 : i32
    %c0_i32_0 = arith.constant 0 : i32
    %c0_i32_1 = arith.constant 0 : i32
    return %c0_i32, %c0_i32_0 : i32, i32
  }
  func.func @transform_6(%arg0: i32) -> (i32, i32, i32) {
    %c0_i32 = arith.constant 0 : i32
    %c0_i32_0 = arith.constant 0 : i32
    %c0_i32_1 = arith.constant 0 : i32
    return %arg0, %c0_i32, %c0_i32_0 : i32, i32, i32
  }
  func.func @transform_7(%arg0: i32) -> (i32, i32, i32) {
    %c0_i32 = arith.constant 0 : i32
    %c0_i32_0 = arith.constant 0 : i32
    %c0_i32_1 = arith.constant 0 : i32
    return %arg0, %c0_i32, %c0_i32_0 : i32, i32, i32
  }
  func.func @transform_8(%arg0: i32) -> (i32, i32) {
    %c0_i32 = arith.constant 0 : i32
    %c0_i32_0 = arith.constant 0 : i32
    %c0_i32_1 = arith.constant 0 : i32
    return %c0_i32, %c0_i32_0 : i32, i32
  }
}

module attributes {stable_mosaic.version = 14 : i64} {
  func.func @body(%arg0: memref<128x64xf32, #tpu.memory_space<vmem>>, %arg1: memref<1x128xf32, #tpu.memory_space<vmem>>, %arg2: memref<64x5xf32, #tpu.memory_space<vmem>>, %arg3: memref<64x5xf32, #tpu.memory_space<vmem>>, %arg4: memref<144x128xf32, #tpu.memory_space<vmem>>, %arg5: memref<1x128xf32, #tpu.memory_space<vmem>>, %arg6: memref<128x64xf32, #tpu.memory_space<vmem>>, %arg7: memref<1x64xf32, #tpu.memory_space<vmem>>, %arg8: memref<64x1xf32, #tpu.memory_space<vmem>>, %arg9: memref<1x1xf32, #tpu.memory_space<vmem>>, %arg10: memref<64x1xf32, #tpu.memory_space<vmem>>) attributes {dimension_semantics = [], scalar_prefetch = 0 : i64, scratch_operands = 0 : i64, tpu.core_type = #tpu.core_type<tc>} {
    %get3A = arith.constant 0 : index
    %get3A_0 = arith.constant 0 : index
    %get3A_1 = vector.load %arg1[%get3A, %get3A_0] : memref<1x128xf32, #tpu.memory_space<vmem>>, vector<1x128xf32>
    %get3A_2 = vector.shape_cast %get3A_1 : vector<1x128xf32> to vector<128xf32>
    %max3A = arith.constant 1.000000e+00 : f32
    %max3A_3 = vector.broadcast %max3A : f32 to vector<128xf32>
    %max3A_4 = arith.maximumf %get3A_2, %max3A_3 : vector<128xf32>
    %get3A_5 = arith.constant 0 : index
    %get3A_6 = arith.constant 0 : index
    %get3A_7 = vector.load %arg0[%get3A_5, %get3A_6] : memref<128x64xf32, #tpu.memory_space<vmem>>, vector<128x64xf32>
    %broadcast_in_dim3A = vector.shape_cast %max3A_4 : vector<128xf32> to vector<128x1xf32>
    %div3A = vector.broadcast %broadcast_in_dim3A : vector<128x1xf32> to vector<128x64xf32>
    %div3A_8 = arith.divf %get3A_7, %div3A : vector<128x64xf32>
    %add3A = arith.addf %get3A_7, %div3A_8 : vector<128x64xf32>
    %slice3A = vector.extract_strided_slice %add3A {offsets = [0, 0], sizes = [64, 64], strides = [1, 1]} : vector<128x64xf32> to vector<64x64xf32>
    %slice3A_9 = vector.extract_strided_slice %add3A {offsets = [64, 0], sizes = [64, 64], strides = [1, 1]} : vector<128x64xf32> to vector<64x64xf32>
    %get3A_10 = arith.constant 0 : index
    %get3A_11 = arith.constant 0 : index
    %get3A_12 = vector.load %arg2[%get3A_10, %get3A_11] : memref<64x5xf32, #tpu.memory_space<vmem>>, vector<64x5xf32>
    %get3A_13 = arith.constant 0 : index
    %get3A_14 = arith.constant 0 : index
    %get3A_15 = vector.load %arg3[%get3A_13, %get3A_14] : memref<64x5xf32, #tpu.memory_space<vmem>>, vector<64x5xf32>
    %broadcast_in_dim3A_16 = arith.constant 0.000000e+00 : f32
    %broadcast_in_dim3A_17 = vector.broadcast %broadcast_in_dim3A_16 : f32 to vector<64x6xf32>
    %concatenate3A = tpu.concatenate %slice3A, %slice3A_9, %get3A_12, %get3A_15, %broadcast_in_dim3A_17 in 1 : vector<64x64xf32>, vector<64x64xf32>, vector<64x5xf32>, vector<64x5xf32>, vector<64x6xf32> -> vector<64x144xf32>
    %get3A_18 = arith.constant 0 : index
    %get3A_19 = arith.constant 0 : index
    %get3A_20 = vector.load %arg4[%get3A_18, %get3A_19] : memref<144x128xf32, #tpu.memory_space<vmem>>, vector<144x128xf32>
    %convert_element_type3A = arith.truncf %concatenate3A : vector<64x144xf32> to vector<64x144xbf16>
    %convert_element_type3A_21 = arith.truncf %get3A_20 : vector<144x128xf32> to vector<144x128xbf16>
    %dot_general3A = arith.constant dense<0.000000e+00> : vector<64x128xf32>
    %dot_general3A_22 = tpu.matmul %convert_element_type3A, %convert_element_type3A_21, %dot_general3A {dimension_numbers = #tpu.dot_dimension_numbers<[1], [0], [0], [1], [0, 0, 1, 1], [], []>, transpose_lhs_hint = false} : vector<64x144xbf16>, vector<144x128xbf16>, vector<64x128xf32> -> vector<64x128xf32>
    %get3A_23 = arith.constant 0 : index
    %get3A_24 = arith.constant 0 : index
    %get3A_25 = vector.load %arg5[%get3A_23, %get3A_24] : memref<1x128xf32, #tpu.memory_space<vmem>>, vector<1x128xf32>
    %add3A_26 = vector.broadcast %get3A_25 : vector<1x128xf32> to vector<64x128xf32>
    %add3A_27 = arith.addf %dot_general3A_22, %add3A_26 : vector<64x128xf32>
    %max3A_28 = arith.constant 0.000000e+00 : f32
    %max3A_29 = vector.broadcast %max3A_28 : f32 to vector<64x128xf32>
    %max3A_30 = arith.maximumf %add3A_27, %max3A_29 : vector<64x128xf32>
    %get3A_31 = arith.constant 0 : index
    %get3A_32 = arith.constant 0 : index
    %get3A_33 = vector.load %arg6[%get3A_31, %get3A_32] : memref<128x64xf32, #tpu.memory_space<vmem>>, vector<128x64xf32>
    %convert_element_type3A_34 = arith.truncf %max3A_30 : vector<64x128xf32> to vector<64x128xbf16>
    %convert_element_type3A_35 = arith.truncf %get3A_33 : vector<128x64xf32> to vector<128x64xbf16>
    %dot_general3A_36 = arith.constant dense<0.000000e+00> : vector<64x64xf32>
    %dot_general3A_37 = tpu.matmul %convert_element_type3A_34, %convert_element_type3A_35, %dot_general3A_36 {dimension_numbers = #tpu.dot_dimension_numbers<[1], [0], [0], [1], [0, 0, 1, 1], [], []>, transpose_lhs_hint = false} : vector<64x128xbf16>, vector<128x64xbf16>, vector<64x64xf32> -> vector<64x64xf32>
    %get3A_38 = arith.constant 0 : index
    %get3A_39 = arith.constant 0 : index
    %get3A_40 = vector.load %arg7[%get3A_38, %get3A_39] : memref<1x64xf32, #tpu.memory_space<vmem>>, vector<1x64xf32>
    %add3A_41 = vector.broadcast %get3A_40 : vector<1x64xf32> to vector<64x64xf32>
    %add3A_42 = arith.addf %dot_general3A_37, %add3A_41 : vector<64x64xf32>
    %max3A_43 = arith.constant 0.000000e+00 : f32
    %max3A_44 = vector.broadcast %max3A_43 : f32 to vector<64x64xf32>
    %max3A_45 = arith.maximumf %add3A_42, %max3A_44 : vector<64x64xf32>
    %get3A_46 = arith.constant 0 : index
    %get3A_47 = arith.constant 0 : index
    %get3A_48 = vector.load %arg8[%get3A_46, %get3A_47] : memref<64x1xf32, #tpu.memory_space<vmem>>, vector<64x1xf32>
    %convert_element_type3A_49 = arith.truncf %max3A_45 : vector<64x64xf32> to vector<64x64xbf16>
    %convert_element_type3A_50 = arith.truncf %get3A_48 : vector<64x1xf32> to vector<64x1xbf16>
    %dot_general3A_51 = arith.constant dense<0.000000e+00> : vector<64x1xf32>
    %dot_general3A_52 = tpu.matmul %convert_element_type3A_49, %convert_element_type3A_50, %dot_general3A_51 {dimension_numbers = #tpu.dot_dimension_numbers<[1], [0], [0], [1], [0, 0, 1, 1], [], []>, transpose_lhs_hint = false} : vector<64x64xbf16>, vector<64x1xbf16>, vector<64x1xf32> -> vector<64x1xf32>
    %get3A_53 = arith.constant 0 : index
    %get3A_54 = arith.constant 0 : index
    %get3A_55 = vector.load %arg9[%get3A_53, %get3A_54] : memref<1x1xf32, #tpu.memory_space<vmem>>, vector<1x1xf32>
    %add3A_56 = vector.broadcast %get3A_55 : vector<1x1xf32> to vector<64x1xf32>
    %add3A_57 = arith.addf %dot_general3A_52, %add3A_56 : vector<64x1xf32>
    %swap3A = arith.constant 0 : index
    %swap3A_58 = arith.constant 0 : index
    %swap3A_59 = vector.load %arg10[%swap3A, %swap3A_58] : memref<64x1xf32, #tpu.memory_space<vmem>>, vector<64x1xf32>
    tpu.vector_store %arg10[%swap3A, %swap3A_58], %add3A_57 {strides = array<i32>} : memref<64x1xf32, #tpu.memory_space<vmem>>, vector<64x1xf32>,
    return
  }
}

</mosaic_0001>

<sc_bundles>
// kernel: kernel.12.cloned.1.call-start
scs
__scs_entry_jumppad:
0x0: {  	(pc) =	sbr.rel $0x88, $3  }
0x1: {  	(tag) =	ssettag $0x0;
	lr =	simm.s32 $0x1  }
0x2: {  	[smem:$0x3F87] =	sst lr;
	_ =	strace $0xD0000000  }
0x3: {  	_ = 	snop  }
0x4: {  	_ = 	snop  }
0x5: {  	_ = 	snop  }
0x6: {  	_ = 	snop  }
0x7: {  	_ = 	snop  }
__scs_overlays_trampoline_lowered:
0x8: {  	[smem:$0x3F96] =	sst s0  }
0x9: {  	[smem:$0x3F97] =	sst s1  }
0xa: {  	[smem:$0x3F98] =	sst s2  }
0xb: {  	[smem:$0x3F99] =	sst s3  }
0xc: {  	[smem:$0x3F9A] =	sst s4  }
0xd: {  	[smem:$0x3F9B] =	sst s5  }
0xe: {  	[smem:$0x3F9C] =	sst s6  }
0xf: {  	[smem:$0x3F9D] =	sst s7  }
0x10: {  	[smem:$0x3F9E] =	sst s8  }
0x11: {  	[smem:$0x3F9F] =	sst s9;
	s0 =	simm.s32 @!p0 $0x0  }
0x12: {  	s1 =	sld [smem:$0x3F85];
	s0 =	simm.s32 @p0 $0x1  }
0x13: {  	[smem:$0x3FA0] =	sst s0;
	s0 =	simm.s32 @!p1 $0x0  }
0x14: {  	s2 =	sld [smem:$0x3F84];
	s0 =	simm.s32 @p1 $0x1  }
0x15: {  	[smem:$0x3FA1] =	sst s0;
	s0 =	simm.s32 @!p2 $0x0  }
0x16: {  	s3 =	sld [smem:$0x3FDB];
	s0 =	simm.s32 @p2 $0x1  }
0x17: {  	s4 =	simm.s32 $0x1BF5;
	[smem:$0x3FA3] =	sst s0  }
0x18: {  	s0 =	sld [smem:$0x3F86];
	_ =	swait.ge [sflag:s4], $0x0  }
0x19: {  	s7 =	sld [smem:$0x3F87]  }
0x1a: {  	s8 =	sadd.s32 $0xFFFFE003, lr  }
0x1b: {  	s9 =	sadd.s32 $0xFFFFFEF7, lr;
	s5 =	simm.s32 $0xFFFFFFFF;
	p2 =	slt.u32 s8, $0xFFFFF086  }
0x1c: {  	p1 =	slt.u32 s9, $0xF7A;
	s5 =	simm.s32 @!p2 $0x0  }
0x1d: {  	s5 =	simm.s32 @p1 $0x1;
	p0 =	seq.s32 s7, s2  }
0x1e: {  	s7 =	smul.u32 @!p0 $0xF7A, s2;
	p2 =	seq.s32 @!p0 s5, $0x0  }
0x1f: {  	s9 =	smul.u32 $0xF7A, s1;
	s8 =	simm.s32 @!p0 $0x1BF5;
	p2 =	por !p2, p0  }
0x20: {  	[sflag:s8] =	ssyncset.s32 @!p0 $0xFFFFF086;
	s6 =	sadd.s32 @!p0 s3, s7;
	s7 =	simm.s32 @!p0 $0x108  }
0x21: {  	s3 =	sadd.s32 s3, s9;
	s6 =	sadd.s32 @!p0 $0x88, s6;
	s7 =	simm.s32 @p2 $0x1082  }
0x22: {  	[simem:s7], [sflag:s8] =	dma.local @!p0 [hbm:s6], $0xF7A  }
0x23: {  	s9 =	sor.u32 $0xD0000000, s2;
	s6 =	simm.s32 $0x108;
	_ =	swait.ge @!p0 [sflag:s8], $0x0  }
0x24: {  	s3 =	sadd.s32 $0x88, s3;
	s6 =	simm.s32 @!p1 $0x1082;
	[sflag:s4] =	ssyncset.s32 $0xFFFFF086  }
0x25: {  	[simem:s6], [sflag:s4] =	dma.local [hbm:s3], $0xF7A  }
0x26: {  	[smem:$0x3F87] =	sst s1;
	(tag) =	ssettag s2;
	_ =	strace s9  }
0x27: {  	s1 =	sld [smem:$0x3F97]  }
0x28: {  	s2 =	sld [smem:$0x3F98]  }
0x29: {  	s4 =	sld [smem:$0x3F9A]  }
0x2a: {  	p0 =	seq.s32 s5, $0x0;
	s5 =	sld [smem:$0x3F9B]  }
0x2b: {  	s6 =	sld [smem:$0x3F9C]  }
0x2c: {  	s7 =	sld [smem:$0x3F9D]  }
0x2d: {  	s3 =	simm.s32 $0x108;
	s8 =	sld [smem:$0x3F9E]  }
0x2e: {  	s3 =	simm.s32 @!p0 $0x1082;
	s9 =	sld [smem:$0x3F9F]  }
0x2f: {  	lr =	sadd.s32 s0, s3;
	s0 =	sld [smem:$0x3F96]  }
0x30: {  	s3 =	sld [smem:$0x3F99]  }
0x31: {  	[smem:$0x3FA2] =	sst s10  }
0x32: {  	s10 =	sld [smem:$0x3FA0];
	_ =	sdelay $0x3  }
0x33: {  	p0 =	seq.s32 s10, $0x1;
	s10 =	sld [smem:$0x3FA2];
	_ =	sdelay $0x3  }
0x34: {  	[smem:$0x3FA2] =	sst s10  }
0x35: {  	s10 =	sld [smem:$0x3FA1];
	_ =	sdelay $0x3  }
0x36: {  	p1 =	seq.s32 s10, $0x1;
	s10 =	sld [smem:$0x3FA2];
	_ =	sdelay $0x3  }
0x37: {  	[smem:$0x3FA2] =	sst s10  }
0x38: {  	s10 =	sld [smem:$0x3FA3]  }
0x39: {  	_ = 	snop;
	(pc) =	sbr.ind lr, $3  }
0x3a: {  	_ = 	snop  }
0x3b: {  	_ = 	snop  }
0x3c: {  	p2 =	seq.s32 s10, $0x1;
	s10 =	sld [smem:$0x3FA2]  }
0x3d: {  	_ =	shalt  }
0x3e: {  	_ =	shalt  }
0x3f: {  	_ =	shalt  }
0x40: {  	_ =	shalt  }
0x41: {  	_ =	shalt  }
0x42: {  	_ =	shalt  }
0x43: {  	_ =	shalt  }
0x44: {  	_ =	shalt  }
0x45: {  	_ =	shalt  }
0x46: {  	_ =	shalt  }
0x47: {  	_ =	shalt  }
0x48: {  	_ =	shalt  }
0x49: {  	_ =	shalt  }
0x4a: {  	_ =	shalt  }
0x4b: {  	_ =	shalt  }
0x4c: {  	_ =	shalt  }
0x4d: {  	_ =	shalt  }
0x4e: {  	_ =	shalt  }
0x4f: {  	_ =	shalt  }
0x50: {  	_ =	shalt  }
0x51: {  	_ =	shalt  }
0x52: {  	_ =	shalt  }
0x53: {  	_ =	shalt  }
0x54: {  	_ =	shalt  }
0x55: {  	_ =	shalt  }
0x56: {  	_ =	shalt  }
0x57: {  	_ =	shalt  }
0x58: {  	_ =	shalt  }
0x59: {  	_ =	shalt  }
0x5a: {  	_ =	shalt  }
0x5b: {  	_ =	shalt  }
0x5c: {  	_ =	shalt  }
0x5d: {  	_ =	shalt  }
0x5e: {  	_ =	shalt  }
0x5f: {  	_ =	shalt  }
0x60: {  	_ =	shalt  }
0x61: {  	_ =	shalt  }
0x62: {  	_ =	shalt  }
0x63: {  	_ =	shalt  }
0x64: {  	_ =	shalt  }
0x65: {  	_ =	shalt  }
0x66: {  	_ =	shalt  }
0x67: {  	_ =	shalt  }
0x68: {  	_ =	shalt  }
0x69: {  	_ =	shalt  }
0x6a: {  	_ =	shalt  }
0x6b: {  	_ =	shalt  }
0x6c: {  	_ =	shalt  }
0x6d: {  	_ =	shalt  }
0x6e: {  	_ =	shalt  }
0x6f: {  	_ =	shalt  }
0x70: {  	_ =	shalt  }
0x71: {  	_ =	shalt  }
0x72: {  	_ =	shalt  }
0x73: {  	_ =	shalt  }
0x74: {  	_ =	shalt  }
0x75: {  	_ =	shalt  }
0x76: {  	_ =	shalt  }
0x77: {  	_ =	shalt  }
0x78: {  	_ =	shalt  }
0x79: {  	_ =	shalt  }
0x7a: {  	_ =	shalt  }
0x7b: {  	_ =	shalt  }
0x7c: {  	_ =	shalt  }
0x7d: {  	_ =	shalt  }
0x7e: {  	_ =	shalt  }
0x7f: {  	_ =	shalt  }
0x80: {  	_ =	shalt  }
0x81: {  	_ =	shalt  }
0x82: {  	_ =	shalt  }
0x83: {  	_ =	shalt  }
0x84: {  	_ =	shalt  }
0x85: {  	_ =	shalt  }
0x86: {  	_ =	shalt  }
0x87: {  	_ =	shalt  }
.Lfunc_end0:
.L_simem_size_0:
called_computation_lowered:
.L_overlay_start_0:
0x88: {  	s2 =	sld [smem:$0x3FD9]  }
0x89: {  	s3 =	sld [smem:$0x3FFE];
	_ =	sdelay $0x1  }
0x8a: {  	s1 =	srdreg.scid  }
0x8b: {  	s0 =	sand.u32 $0x1, s1  }
0x8c: {  	s16 =	sshll.u32 s0, $0xA;
	s2 =	sadd.s32 s3, s2  }
0x8d: {  	s2 =	sadd.s32 s2, s16  }
0x8e: {  	[smem:$0x3FAE] =	sst s2  }
0x8f: {  	_ = 	snop  }
0x90: {  	(tm) =	ssettm $0x1  }
0x91: {  	s17 =	sld [smem:$0x3FFB];
	_ =	sdelay $0x3  }
0x92: {  	_ =	strace s17  }
0x93: {  	s2 =	sld [smem:$0x3FFC];
	_ =	sdelay $0x3  }
0x94: {  	_ =	strace s2  }
0x95: {  	s2 =	sld [smem:$0x3FFD];
	_ =	sdelay $0x3  }
0x96: {  	_ =	strace s2  }
0x97: {  	_ =	strace $0x8FFFFFFF  }
0x98: {  	s18 =	sld [smem:$0x3FDB];
	_ =	sdelay $0x1  }
0x99: {  	s19 =	simm.s32 $_scs_section_size  }
0x9a: {  	s4 =	simm.s32 $_size__tile_overlayer_lowered;
	s5 =	simm.s32 $_tile_overlayer_lowered  }
0x9b: {  	s22 =	simm.s32 $0x1BFF;
	s21 =	sshll.u32 s5, $0x1;
	s2 =	sadd.s32 s19, s18  }
0x9c: {  	s6 =	simm.s32 $0x0;
	s20 =	sshll.u32 s4, $0x1;
	s4 =	sadd.s32 s21, s2  }
0x9d: {  	[timem:s6], [sflag:s22] =	dma.local [hbm:s4], s20  }
0x9e: {  	_ =	swait.ge [sflag:s22], s20  }
0x9f: {  	s3 =	ssub.s32 $0x0, s20;
	[sflag:s22] =	ssyncset.done $0x0  }
0xa0: {  	[sflag:s22] =	ssyncadd.s32 s3;
	_ =	sdelay $0x1  }
0xa1: {  	s23 =	simm.s32 $0x1B8B  }
0xa2: {  	_ =	swait.ge [sflag:s23], $0x1  }
0xa3: {  	[sflag:s23] =	ssyncset.done $0x0  }
0xa4: {  	s25 =	simm.s32 $0x1B8E;
	s24 =	sld [smem:$0x3FFE];
	[sflag:s23] =	ssyncadd.s32 $0xFFFFFFFF  }
0xa5: {  	s26 =	simm.s32 $execute0_lowered;
	[smem:$0x3FD2] =	sst s25  }
0xa6: {  	s4 =	sshll.u32 s26, $0x1;
	_ =	strace $0x80000046;
	[dreg:$0x1] =	wrdreg $0xFFFFFFFF  }
0xa7: {  	s28 =	simm.s32 $_size_execute0_lowered;
	s2 =	sadd.s32 s2, s4;
	[dreg:$0x0] =	wrdreg $0x0  }
0xa8: {  	s4 =	sshll.u32 s28, $0x1;
	[dreg:$0x2] =	wrdreg s2  }
0xa9: {  	[dreg:$0x3] =	wrdreg s4  }
0xaa: {  	[dreg:$0x4] =	wrdreg $0xC0  }
0xab: {  	_ =	task [dreg:s6], $0x5FFFF  }
0xac: {  	[dreg:$0x1] =	wrdreg $0xFFFFFFFF  }
0xad: {  	[dreg:$0x0] =	wrdreg $0x60  }
0xae: {  	[dreg:$0x2] =	wrdreg s24  }
0xaf: {  	[dreg:$0x3] =	wrdreg $0xE0000  }
0xb0: {  	[dreg:$0x4] =	wrdreg $0x9  }
0xb1: {  	_ =	task.clear_ibuf [dreg:s6], $0x5FFFF;
	_ =	strace $0x90000046  }
0xb2: {  	s29 =	simm.s32 $0x9;
	_ =	strace $0x80000048  }
0xb3: {  	_ =	swait.ge [sflag:s29], $0x1  }
0xb4: {  	[sflag:s29] =	ssyncadd.s32 $0xFFFFFFFF  }
0xb5: {  	_ =	strace $0x90000048  }
0xb6: {  	_ =	sfence  }
0xb7: {  	s30 =	sld [smem:$0x0];
	_ =	sdelay $0x2  }
0xb8: {  	s31 =	sshll.u32 s1, $0xD;
	s1 =	sshrl.u32 s1, $0x2  }
0xb9: {  	s3 =	sand.u32 $0x4000, s31;
	s1 =	sadd.s32 s1, s30  }
0xba: {  	s0 =	sor.u32 s3, s0;
	s1 =	sshll.u32 s1, $0x11  }
0xbb: {  	s0 =	sor.u32 s1, s0  }
0xbc: {  	s0 =	sadd.s32 $0x8F2B, s0  }
0xbd: {  	[sflag:s0] =	ssyncadd.remote.s32 $0x1  }
0xbe: {  	_ =	sfence.sel $0xFFFF  }
0xbf: {  	[dreg:$0x0] =	wrdreg $0xFFFFFFFF;
	(pc) =	sbr.abs _section_cstart, $3  }
0xc0: {  	[dreg:$0x1] =	wrdreg $0xFFFFFFFF  }
0xc1: {  	_ =	task.clear_ibuf [dreg:s6], $0x2FFFF;
	_ =	strace $0x9FFFFFFF  }
0xc2: {  	(tm) =	ssettm $0x7FFFFFFF  }
0xc3: {  	_ =	shalt  }
tec
execute0_lowered:
.L_overlay_start_1:
0x0: {  	(tag) =	ssettag $0x1  }
0x1: {  	s8 =	rddreg [dreg:$0x0]  }
0x2: {  	s0 =	srdreg.scid;
	s2 =	rddreg [dreg:$0x1]  }
0x3: {  	s3 =	simm.s32 $0x0;
	s14 =	simm.s32 $0x5000;
	s17 =	simm.s32 $0x80  }
0x4: {  	s18 =	simm.s32 $0xA000;
	s19 =	simm.s32 $0xC000;
	s20 =	simm.s32 $0x1  }
0x5: {  	s21 =	simm.s32 $0x2;
	s22 =	simm.s32 $0x4F80;
	s23 =	simm.s32 $0x9F00  }
0x6: {  	s24 =	simm.s32 $0x9F80;
	s7 =	sand.u32 $0x1, s0;
	s0 =	stileid.u32  }
0x7: {  	s25 =	simm.s32 $0x0;
	[smem:$0x7FF] =	sst s3;
	s9 =	smul.u32 $0x2710, s7  }
0x8: {  	s4 =	sadd.s32 $0x7CA00, s8;
	s5 =	sadd.s32 $0xCAC00, s8;
	s10 =	smul.u32 $0x271, s0  }
0x9: {  	s1 =	sshll.u32 s7, $0x4;
	_ =	strace $0x80000047;
	s28 =	smul.u32 $0x28000, s0  }
0xa: {  	s7 =	ssub.s32 $0x2, s7;
	s30 =	smul.u32 $0x27100, s0;
	s15 =	sshll.u32 s0, $0x6  }
0xb: {  	s1 =	sor.u32 s0, s1;
	s29 =	sshrl.u32 s7, $0x1;
	s15 =	sor.u32 $0x1C03, s15  }
0xc: {  	s6 =	smul.u32 $0xA00, s1;
	s9 =	sadd.s32 s10, s9;
	s13 =	ssub.s32 s7, s29  }
0xd: {  	s10 =	sshrl.u32 s28, $0x2;
	s31 =	sshrl.u32 s30, $0x2;
	s9 =	sshll.u32 s9, $0x3  }
0xe: {  	s16 =	sadd.s32 s10, s2;
	s10 =	sadd.s32 s31, s2;
	s11 =	sadd.s32 s6, s8  }
0xf: {  	s6 =	sadd.s32 $0xA3C00, s8;
	s12 =	sadd.s32 s9, s8;
	s16 =	sshrl.u32 s16, $0x3  }
0x10: {  	s7 =	sadd.s32 $0x1A800, s11;
	s8 =	sadd.s32 $0x6800, s11;
	s9 =	sadd.s32 $0x119000, s12  }
0x11: {  	s11 =	sadd.s32 $0xF1E00, s12;
	s12 =	smax.u32 s13, $0x1;
	s13 =	simm.s32 $0x3  }
.LBB2_1:
0x12: {  	[tilespmem:s3], [sflag:$0x3] =	stream.linear.gather [hbm4b:s7+s3], $0x5000, $0x38;
	[tilespmem:$0x18000] =	vst v63  }
0x13: {  	_ =	swait.ge [sflag:s13], $0x5000  }
0x14: {  	[sflag:s13] =	ssyncset.done $0x0  }
0x15: {  	[sflag:s13] =	ssyncadd.s32 $0xFFFFB000  }
0x16: {  	[tilespmem:s14], [sflag:$0x3] =	stream.linear.gather [hbm4b:s8+s3], $0x5000, $0x38;
	[tilespmem:$0x18000] =	vst v63  }
0x17: {  	_ =	swait.ge [sflag:s13], $0x5000  }
0x18: {  	[sflag:s13] =	ssyncset.done $0x0  }
0x19: {  	[sflag:s13] =	ssyncadd.s32 $0xFFFFB000  }
0x1a: {  	[spmem:s16], [sflag:s15] =	dma.local [hbm:s6], $0x1400  }
0x1b: {  	_ =	swait.ge [sflag:s13], $0x1400  }
0x1c: {  	[sflag:s13] =	ssyncset.done $0x0  }
0x1d: {  	[sflag:s13] =	ssyncadd.s32 $0xFFFFEC00  }
0x1e: {  	[bflag:$0x0] =	sbarrier.arrive $0xFFFF  }
0x1f: {  	[tilespmem:s18], [sflag:$0x1] =	stream.indirect.gather [hbm4b:s4+s17], $0x40, s3, s17, $0xb8;
	[tilespmem:$0x18000] =	vst v63  }
0x20: {  	s26 =	simm.s32 $0x80  }
0x21: {  	[tilespmem:s19], [sflag:$0x2] =	stream.indirect.gather [hbm4b:s4+s17], $0x40, s26, s17, $0xb8;
	[tilespmem:$0x18000] =	vst v63  }
0x22: {  	_ =	swait.ge [sflag:s20], $0x2000  }
0x23: {  	[sflag:s20] =	ssyncset.done $0x0  }
0x24: {  	s29 =	simm.s32 $0x5000;
	[sflag:s20] =	ssyncadd.s32 $0xFFFFE000  }
0x25: {  	[spmem:s2] =	stream.indirect.scatter.add.s32 [tilespmem:s18], [sflag:$0x3], $0x40, s29, s17, $0xb8;
	[tilespmem:$0x18000] =	vst v63  }
0x26: {  	_ =	swait.ge [sflag:s13], $0x2000  }
0x27: {  	[sflag:s13] =	ssyncset.done $0x0  }
0x28: {  	s30 =	simm.s32 $0x100;
	[sflag:s13] =	ssyncadd.s32 $0xFFFFE000  }
0x29: {  	[tilespmem:s18], [sflag:$0x1] =	stream.indirect.gather [hbm4b:s4+s17], $0x40, s30, s17, $0xb8;
	[tilespmem:$0x18000] =	vst v63  }
0x2a: {  	_ =	swait.ge [sflag:s21], $0x2000  }
0x2b: {  	[sflag:s21] =	ssyncset.done $0x0  }
0x2c: {  	s31 =	simm.s32 $0x5080;
	[sflag:s21] =	ssyncadd.s32 $0xFFFFE000  }
0x2d: {  	[spmem:s2] =	stream.indirect.scatter.add.s32 [tilespmem:s19], [sflag:$0x3], $0x40, s31, s17, $0xb8;
	[tilespmem:$0x18000] =	vst v63  }
0x2e: {  	_ =	swait.ge [sflag:s13], $0x2000  }
0x2f: {  	s28 =	simm.s32 $0x800;
	s26 =	simm.s32 $0x100;
	[sflag:s13] =	ssyncset.done $0x0  }
.LBB2_2:
0x30: {  	s29 =	sadd.s32 $0x80, s26  }
0x31: {  	[sflag:s13] =	ssyncadd.s32 $0xFFFFE000;
	s30 =	smov.u32 s28;
	s31 =	sadd.s32 $0x400, s28  }
0x32: {  	[tilespmem:s19], [sflag:$0x2] =	stream.indirect.gather [hbm4b:s4+s17], $0x40, s29, s17, $0xb8;
	[tilespmem:$0x18000] =	vst v63  }
0x33: {  	p0 =	sne.s32 s28, $0x13800;
	_ =	swait.ge [sflag:s20], $0x2000  }
0x34: {  	[sflag:s20] =	ssyncset.done $0x0  }
0x35: {  	s28 =	sadd.s32 $0x5000, s26;
	[sflag:s20] =	ssyncadd.s32 $0xFFFFE000  }
0x36: {  	[spmem:s2] =	stream.indirect.scatter.add.s32 [tilespmem:s18], [sflag:$0x3], $0x40, s28, s17, $0xb8;
	[tilespmem:$0x18000] =	vst v63  }
0x37: {  	_ =	swait.ge [sflag:s13], $0x2000  }
0x38: {  	[sflag:s13] =	ssyncset.done $0x0  }
0x39: {  	s28 =	sadd.s32 $0x100, s26;
	[sflag:s13] =	ssyncadd.s32 $0xFFFFE000  }
0x3a: {  	[tilespmem:s18], [sflag:$0x1] =	stream.indirect.gather [hbm4b:s4+s17], $0x40, s28, s17, $0xb8;
	[tilespmem:$0x18000] =	vst v63  }
0x3b: {  	_ =	swait.ge [sflag:s21], $0x2000  }
.Ltmp0:
0x3c: {  	[sflag:s21] =	ssyncset.done $0x0;
	(pc) =	sbr.rel @p0 .LBB2_2-.Ltmp0, $4  }
0x3d: {  	s26 =	sadd.s32 $0x5080, s26;
	[sflag:s21] =	ssyncadd.s32 $0xFFFFE000  }
0x3e: {  	[spmem:s2] =	stream.indirect.scatter.add.s32 [tilespmem:s19], [sflag:$0x3], $0x40, s26, s17, $0xb8;
	[tilespmem:$0x18000] =	vst v63  }
0x3f: {  	_ =	swait.ge [sflag:s13], $0x2000  }
0x40: {  	s28 =	smov.u32 s31;
	s26 =	sshra.s32 s30, $0x2;
	[sflag:s13] =	ssyncset.done $0x0  }
0x41: {  	s28 =	sadd.s32 $0x80, s26;
	[sflag:s13] =	ssyncadd.s32 $0xFFFFE000  }
0x42: {  	[tilespmem:s19], [sflag:$0x2] =	stream.indirect.gather [hbm4b:s4+s17], $0x40, s28, s17, $0xb8;
	[tilespmem:$0x18000] =	vst v63  }
0x43: {  	_ =	swait.ge [sflag:s20], $0x2000  }
0x44: {  	[sflag:s20] =	ssyncset.done $0x0  }
0x45: {  	s28 =	sadd.s32 $0x5000, s26;
	[sflag:s20] =	ssyncadd.s32 $0xFFFFE000  }
0x46: {  	[spmem:s2] =	stream.indirect.scatter.add.s32 [tilespmem:s18], [sflag:$0x3], $0x40, s28, s17, $0xb8;
	[tilespmem:$0x18000] =	vst v63  }
0x47: {  	_ =	swait.ge [sflag:s13], $0x2000  }
0x48: {  	[sflag:s13] =	ssyncset.done $0x0  }
0x49: {  	s28 =	sadd.s32 $0x100, s26;
	[sflag:s13] =	ssyncadd.s32 $0xFFFFE000  }
0x4a: {  	[tilespmem:s18], [sflag:$0x1] =	stream.indirect.gather [hbm4b:s4+s17], $0x40, s28, s17, $0xb8;
	[tilespmem:$0x18000] =	vst v63  }
0x4b: {  	_ =	swait.ge [sflag:s21], $0x2000  }
0x4c: {  	[sflag:s21] =	ssyncset.done $0x0  }
0x4d: {  	s31 =	sadd.s32 $0x5080, s26;
	[sflag:s21] =	ssyncadd.s32 $0xFFFFE000  }
0x4e: {  	[spmem:s2] =	stream.indirect.scatter.add.s32 [tilespmem:s19], [sflag:$0x3], $0x40, s31, s17, $0xb8;
	[tilespmem:$0x18000] =	vst v63  }
0x4f: {  	_ =	swait.ge [sflag:s13], $0x2000  }
0x50: {  	[sflag:s13] =	ssyncset.done $0x0  }
0x51: {  	[sflag:s13] =	ssyncadd.s32 $0xFFFFE000  }
0x52: {  	[tilespmem:s19], [sflag:$0x2] =	stream.indirect.gather [hbm4b:s4+s17], $0x40, s22, s17, $0xb8;
	[tilespmem:$0x18000] =	vst v63  }
0x53: {  	_ =	swait.ge [sflag:s20], $0x2000  }
0x54: {  	[sflag:s20] =	ssyncset.done $0x0  }
0x55: {  	[sflag:s20] =	ssyncadd.s32 $0xFFFFE000  }
0x56: {  	[spmem:s2] =	stream.indirect.scatter.add.s32 [tilespmem:s18], [sflag:$0x3], $0x40, s23, s17, $0xb8;
	[tilespmem:$0x18000] =	vst v63  }
0x57: {  	_ =	swait.ge [sflag:s13], $0x2000  }
0x58: {  	[sflag:s13] =	ssyncset.done $0x0  }
0x59: {  	[sflag:s13] =	ssyncadd.s32 $0xFFFFE000  }
0x5a: {  	_ =	swait.ge [sflag:s21], $0x2000  }
0x5b: {  	[sflag:s21] =	ssyncset.done $0x0  }
0x5c: {  	[sflag:s21] =	ssyncadd.s32 $0xFFFFE000  }
0x5d: {  	[spmem:s2] =	stream.indirect.scatter.add.s32 [tilespmem:s19], [sflag:$0x3], $0x40, s24, s17, $0xb8;
	[tilespmem:$0x18000] =	vst v63  }
0x5e: {  	_ =	swait.ge [sflag:s13], $0x2000  }
0x5f: {  	[sflag:s13] =	ssyncset.done $0x0  }
0x60: {  	[sflag:s13] =	ssyncadd.s32 $0xFFFFE000  }
0x61: {  	s26 =	sshrl.u32 s10, $0x3;
	[bflag:$0x0] =	sbarrier.arrive $0xFFFF  }
0x62: {  	[hbm:s9], [sflag:s15] =	dma.local [spmem:s26], $0x1388  }
0x63: {  	_ =	swait.ge [sflag:s13], $0x1388  }
0x64: {  	[sflag:s13] =	ssyncset.done $0x0  }
0x65: {  	[sflag:s13] =	ssyncadd.s32 $0xFFFFEC78  }
0x66: {  	[bflag:$0x0] =	sbarrier.arrive $0xFFFF  }
0x67: {  	[spmem:s16], [sflag:s15] =	dma.local [hbm:s6], $0x1400  }
0x68: {  	_ =	swait.ge [sflag:s13], $0x1400  }
0x69: {  	[sflag:s13] =	ssyncset.done $0x0  }
0x6a: {  	[sflag:s13] =	ssyncadd.s32 $0xFFFFEC00  }
0x6b: {  	s28 =	simm.s32 $0x0;
	[bflag:$0x0] =	sbarrier.arrive $0xFFFF  }
0x6c: {  	[tilespmem:s18], [sflag:$0x1] =	stream.indirect.gather [hbm4b:s5+s17], $0x40, s28, s17, $0xb8;
	[tilespmem:$0x18000] =	vst v63  }
0x6d: {  	s28 =	simm.s32 $0x80  }
0x6e: {  	[tilespmem:s19], [sflag:$0x2] =	stream.indirect.gather [hbm4b:s5+s17], $0x40, s28, s17, $0xb8;
	[tilespmem:$0x18000] =	vst v63  }
0x6f: {  	_ =	swait.ge [sflag:s20], $0x2000  }
0x70: {  	[sflag:s20] =	ssyncset.done $0x0  }
0x71: {  	s28 =	simm.s32 $0x5000;
	[sflag:s20] =	ssyncadd.s32 $0xFFFFE000  }
0x72: {  	[spmem:s2] =	stream.indirect.scatter.add.s32 [tilespmem:s18], [sflag:$0x3], $0x40, s28, s17, $0xb8;
	[tilespmem:$0x18000] =	vst v63  }
0x73: {  	_ =	swait.ge [sflag:s13], $0x2000  }
0x74: {  	[sflag:s13] =	ssyncset.done $0x0  }
0x75: {  	s28 =	simm.s32 $0x100;
	[sflag:s13] =	ssyncadd.s32 $0xFFFFE000  }
0x76: {  	[tilespmem:s18], [sflag:$0x1] =	stream.indirect.gather [hbm4b:s5+s17], $0x40, s28, s17, $0xb8;
	[tilespmem:$0x18000] =	vst v63  }
0x77: {  	_ =	swait.ge [sflag:s21], $0x2000  }
0x78: {  	[sflag:s21] =	ssyncset.done $0x0  }
0x79: {  	s28 =	simm.s32 $0x5080;
	[sflag:s21] =	ssyncadd.s32 $0xFFFFE000  }
0x7a: {  	[spmem:s2] =	stream.indirect.scatter.add.s32 [tilespmem:s19], [sflag:$0x3], $0x40, s28, s17, $0xb8;
	[tilespmem:$0x18000] =	vst v63  }
0x7b: {  	_ =	swait.ge [sflag:s13], $0x2000  }
0x7c: {  	s29 =	simm.s32 $0x800;
	s28 =	simm.s32 $0x100;
	[sflag:s13] =	ssyncset.done $0x0  }
.LBB2_4:
0x7d: {  	s30 =	sadd.s32 $0x80, s28  }
0x7e: {  	[sflag:s13] =	ssyncadd.s32 $0xFFFFE000;
	s31 =	smov.u32 s29;
	s1 =	sadd.s32 $0x400, s29  }
0x7f: {  	[tilespmem:s19], [sflag:$0x2] =	stream.indirect.gather [hbm4b:s5+s17], $0x40, s30, s17, $0xb8;
	[tilespmem:$0x18000] =	vst v63  }
0x80: {  	p0 =	sne.s32 s29, $0x13800;
	_ =	swait.ge [sflag:s20], $0x2000  }
0x81: {  	[sflag:s20] =	ssyncset.done $0x0  }
0x82: {  	s29 =	sadd.s32 $0x5000, s28;
	[sflag:s20] =	ssyncadd.s32 $0xFFFFE000  }
0x83: {  	[spmem:s2] =	stream.indirect.scatter.add.s32 [tilespmem:s18], [sflag:$0x3], $0x40, s29, s17, $0xb8;
	[tilespmem:$0x18000] =	vst v63  }
0x84: {  	_ =	swait.ge [sflag:s13], $0x2000  }
0x85: {  	[sflag:s13] =	ssyncset.done $0x0  }
0x86: {  	s29 =	sadd.s32 $0x100, s28;
	[sflag:s13] =	ssyncadd.s32 $0xFFFFE000  }
0x87: {  	[tilespmem:s18], [sflag:$0x1] =	stream.indirect.gather [hbm4b:s5+s17], $0x40, s29, s17, $0xb8;
	[tilespmem:$0x18000] =	vst v63  }
0x88: {  	_ =	swait.ge [sflag:s21], $0x2000  }
.Ltmp1:
0x89: {  	[sflag:s21] =	ssyncset.done $0x0;
	(pc) =	sbr.rel @p0 .LBB2_4-.Ltmp1, $4  }
0x8a: {  	s28 =	sadd.s32 $0x5080, s28;
	[sflag:s21] =	ssyncadd.s32 $0xFFFFE000  }
0x8b: {  	[spmem:s2] =	stream.indirect.scatter.add.s32 [tilespmem:s19], [sflag:$0x3], $0x40, s28, s17, $0xb8;
	[tilespmem:$0x18000] =	vst v63  }
0x8c: {  	_ =	swait.ge [sflag:s13], $0x2000  }
0x8d: {  	s29 =	smov.u32 s1;
	s28 =	sshra.s32 s31, $0x2;
	[sflag:s13] =	ssyncset.done $0x0  }
0x8e: {  	s1 =	sadd.s32 $0x80, s28;
	[sflag:s13] =	ssyncadd.s32 $0xFFFFE000  }
0x8f: {  	[tilespmem:s19], [sflag:$0x2] =	stream.indirect.gather [hbm4b:s5+s17], $0x40, s1, s17, $0xb8;
	[tilespmem:$0x18000] =	vst v63  }
0x90: {  	_ =	swait.ge [sflag:s20], $0x2000  }
0x91: {  	[sflag:s20] =	ssyncset.done $0x0  }
0x92: {  	s29 =	sadd.s32 $0x5000, s28;
	[sflag:s20] =	ssyncadd.s32 $0xFFFFE000  }
0x93: {  	[spmem:s2] =	stream.indirect.scatter.add.s32 [tilespmem:s18], [sflag:$0x3], $0x40, s29, s17, $0xb8;
	[tilespmem:$0x18000] =	vst v63  }
0x94: {  	_ =	swait.ge [sflag:s13], $0x2000  }
0x95: {  	[sflag:s13] =	ssyncset.done $0x0  }
0x96: {  	s30 =	sadd.s32 $0x100, s28;
	[sflag:s13] =	ssyncadd.s32 $0xFFFFE000  }
0x97: {  	[tilespmem:s18], [sflag:$0x1] =	stream.indirect.gather [hbm4b:s5+s17], $0x40, s30, s17, $0xb8;
	[tilespmem:$0x18000] =	vst v63  }
0x98: {  	_ =	swait.ge [sflag:s21], $0x2000  }
0x99: {  	[sflag:s21] =	ssyncset.done $0x0  }
0x9a: {  	s31 =	sadd.s32 $0x5080, s28;
	[sflag:s21] =	ssyncadd.s32 $0xFFFFE000  }
0x9b: {  	[spmem:s2] =	stream.indirect.scatter.add.s32 [tilespmem:s19], [sflag:$0x3], $0x40, s31, s17, $0xb8;
	[tilespmem:$0x18000] =	vst v63  }
0x9c: {  	_ =	swait.ge [sflag:s13], $0x2000  }
0x9d: {  	[sflag:s13] =	ssyncset.done $0x0  }
0x9e: {  	[sflag:s13] =	ssyncadd.s32 $0xFFFFE000  }
0x9f: {  	[tilespmem:s19], [sflag:$0x2] =	stream.indirect.gather [hbm4b:s5+s17], $0x40, s22, s17, $0xb8;
	[tilespmem:$0x18000] =	vst v63  }
0xa0: {  	_ =	swait.ge [sflag:s20], $0x2000  }
0xa1: {  	[sflag:s20] =	ssyncset.done $0x0  }
0xa2: {  	[sflag:s20] =	ssyncadd.s32 $0xFFFFE000  }
0xa3: {  	[spmem:s2] =	stream.indirect.scatter.add.s32 [tilespmem:s18], [sflag:$0x3], $0x40, s23, s17, $0xb8;
	[tilespmem:$0x18000] =	vst v63  }
0xa4: {  	_ =	swait.ge [sflag:s13], $0x2000  }
0xa5: {  	[sflag:s13] =	ssyncset.done $0x0  }
0xa6: {  	[sflag:s13] =	ssyncadd.s32 $0xFFFFE000  }
0xa7: {  	_ =	swait.ge [sflag:s21], $0x2000  }
0xa8: {  	[sflag:s21] =	ssyncset.done $0x0  }
0xa9: {  	[sflag:s21] =	ssyncadd.s32 $0xFFFFE000  }
0xaa: {  	[spmem:s2] =	stream.indirect.scatter.add.s32 [tilespmem:s19], [sflag:$0x3], $0x40, s24, s17, $0xb8;
	[tilespmem:$0x18000] =	vst v63  }
0xab: {  	_ =	swait.ge [sflag:s13], $0x2000  }
0xac: {  	s25 =	sadd.s32 $0x1, s25;
	[sflag:s13] =	ssyncset.done $0x0  }
0xad: {  	p0 =	sne.s32 s25, s12;
	[sflag:s13] =	ssyncadd.s32 $0xFFFFE000  }
.Ltmp2:
0xae: {  	[bflag:$0x0] =	sbarrier.arrive $0xFFFF;
	(pc) =	sbr.rel @p0 .LBB2_1-.Ltmp2, $4  }
0xaf: {  	[hbm:s11], [sflag:s15] =	dma.local [spmem:s26], $0x1388  }
0xb0: {  	_ =	swait.ge [sflag:s13], $0x1388  }
0xb1: {  	[sflag:s13] =	ssyncset.done $0x0  }
0xb2: {  	[sflag:s13] =	ssyncadd.s32 $0xFFFFEC78  }
0xb3: {  	_ =	sfence.sel $0x180000  }
0xb4: {  	[bflag:$0x0] =	sbarrier.arrive $0xFFFF  }
0xb5: {  	_ =	strace $0x90000047  }
0xb6: {  	[bflag:$0x2] =	sbarrier.arrive $0xFFFF  }
0xb7: {  	p0 =	sne.s32 s0, $0x0;
	s0 =	rddreg [dreg:$0x2]  }
0xb8: {  	s0 =	sadd.s32 @!p0 $0x100000, s0  }
0xb9: {  	[sflag:s0] =	ssyncadd.tile.s32 @!p0 $0x1;
	_ =	shalt  }
.Lfunc_end2:
_tile_overlayer_lowered:
.L_overlay_start_2:
0xba: {  	(tag) =	ssettag $0x2  }
0xbb: {  	s0 =	rddreg [dreg:$0x0];
	s2 =	stileid.u32  }
0xbc: {  	s1 =	rddreg [dreg:$0x1];
	p0 =	sne.s32 s2, $0x0  }
0xbd: {  	s3 =	rddreg [dreg:$0x2];
	[bflag:$0x3] =	sbarrier.arrive $0xFFFF;
	s2 =	simm.s32 @!p0 $0x1C03  }
0xbe: {  	[timem:s3], [sflag:s2] =	dma.local @!p0 [hbm:s0], s1  }
0xbf: {  	s0 =	simm.s32 @!p0 $0x3  }
0xc0: {  	_ =	swait.ge @!p0 [sflag:s0], s1  }
0xc1: {  	s1 =	ssub.s32 @!p0 $0x0, s1;
	[sflag:s0] =	ssyncset.done @!p0 $0x0  }
0xc2: {  	[sflag:s0] =	ssyncadd.s32 @!p0 s1  }
0xc3: {  	[bflag:$0x3] =	sbarrier.arrive $0xFFFF  }
0xc4: {  	_ =	shalt  }

// kernel: kernel.15.cloned.1.call-start
scs
__scs_entry_jumppad:
0x0: {  	(pc) =	sbr.rel $0x88, $3  }
0x1: {  	(tag) =	ssettag $0x0;
	lr =	simm.s32 $0x1  }
0x2: {  	[smem:$0x3F87] =	sst lr;
	_ =	strace $0xD0000000  }
0x3: {  	_ = 	snop  }
0x4: {  	_ = 	snop  }
0x5: {  	_ = 	snop  }
0x6: {  	_ = 	snop  }
0x7: {  	_ = 	snop  }
__scs_overlays_trampoline_lowered:
0x8: {  	[smem:$0x3F96] =	sst s0  }
0x9: {  	[smem:$0x3F97] =	sst s1  }
0xa: {  	[smem:$0x3F98] =	sst s2  }
0xb: {  	[smem:$0x3F99] =	sst s3  }
0xc: {  	[smem:$0x3F9A] =	sst s4  }
0xd: {  	[smem:$0x3F9B] =	sst s5  }
0xe: {  	[smem:$0x3F9C] =	sst s6  }
0xf: {  	[smem:$0x3F9D] =	sst s7  }
0x10: {  	[smem:$0x3F9E] =	sst s8  }
0x11: {  	[smem:$0x3F9F] =	sst s9;
	s0 =	simm.s32 @!p0 $0x0  }
0x12: {  	s1 =	sld [smem:$0x3F85];
	s0 =	simm.s32 @p0 $0x1  }
0x13: {  	[smem:$0x3FA0] =	sst s0;
	s0 =	simm.s32 @!p1 $0x0  }
0x14: {  	s2 =	sld [smem:$0x3F84];
	s0 =	simm.s32 @p1 $0x1  }
0x15: {  	[smem:$0x3FA1] =	sst s0;
	s0 =	simm.s32 @!p2 $0x0  }
0x16: {  	s3 =	sld [smem:$0x3FDB];
	s0 =	simm.s32 @p2 $0x1  }
0x17: {  	s4 =	simm.s32 $0x1BF5;
	[smem:$0x3FA3] =	sst s0  }
0x18: {  	s0 =	sld [smem:$0x3F86];
	_ =	swait.ge [sflag:s4], $0x0  }
0x19: {  	s7 =	sld [smem:$0x3F87]  }
0x1a: {  	s8 =	sadd.s32 $0xFFFFE003, lr  }
0x1b: {  	s9 =	sadd.s32 $0xFFFFFEF7, lr;
	s5 =	simm.s32 $0xFFFFFFFF;
	p2 =	slt.u32 s8, $0xFFFFF086  }
0x1c: {  	p1 =	slt.u32 s9, $0xF7A;
	s5 =	simm.s32 @!p2 $0x0  }
0x1d: {  	s5 =	simm.s32 @p1 $0x1;
	p0 =	seq.s32 s7, s2  }
0x1e: {  	s7 =	smul.u32 @!p0 $0xF7A, s2;
	p2 =	seq.s32 @!p0 s5, $0x0  }
0x1f: {  	s9 =	smul.u32 $0xF7A, s1;
	s8 =	simm.s32 @!p0 $0x1BF5;
	p2 =	por !p2, p0  }
0x20: {  	[sflag:s8] =	ssyncset.s32 @!p0 $0xFFFFF086;
	s6 =	sadd.s32 @!p0 s3, s7;
	s7 =	simm.s32 @!p0 $0x108  }
0x21: {  	s3 =	sadd.s32 s3, s9;
	s6 =	sadd.s32 @!p0 $0x88, s6;
	s7 =	simm.s32 @p2 $0x1082  }
0x22: {  	[simem:s7], [sflag:s8] =	dma.local @!p0 [hbm:s6], $0xF7A  }
0x23: {  	s9 =	sor.u32 $0xD0000000, s2;
	s6 =	simm.s32 $0x108;
	_ =	swait.ge @!p0 [sflag:s8], $0x0  }
0x24: {  	s3 =	sadd.s32 $0x88, s3;
	s6 =	simm.s32 @!p1 $0x1082;
	[sflag:s4] =	ssyncset.s32 $0xFFFFF086  }
0x25: {  	[simem:s6], [sflag:s4] =	dma.local [hbm:s3], $0xF7A  }
0x26: {  	[smem:$0x3F87] =	sst s1;
	(tag) =	ssettag s2;
	_ =	strace s9  }
0x27: {  	s1 =	sld [smem:$0x3F97]  }
0x28: {  	s2 =	sld [smem:$0x3F98]  }
0x29: {  	s4 =	sld [smem:$0x3F9A]  }
0x2a: {  	p0 =	seq.s32 s5, $0x0;
	s5 =	sld [smem:$0x3F9B]  }
0x2b: {  	s6 =	sld [smem:$0x3F9C]  }
0x2c: {  	s7 =	sld [smem:$0x3F9D]  }
0x2d: {  	s3 =	simm.s32 $0x108;
	s8 =	sld [smem:$0x3F9E]  }
0x2e: {  	s3 =	simm.s32 @!p0 $0x1082;
	s9 =	sld [smem:$0x3F9F]  }
0x2f: {  	lr =	sadd.s32 s0, s3;
	s0 =	sld [smem:$0x3F96]  }
0x30: {  	s3 =	sld [smem:$0x3F99]  }
0x31: {  	[smem:$0x3FA2] =	sst s10  }
0x32: {  	s10 =	sld [smem:$0x3FA0];
	_ =	sdelay $0x3  }
0x33: {  	p0 =	seq.s32 s10, $0x1;
	s10 =	sld [smem:$0x3FA2];
	_ =	sdelay $0x3  }
0x34: {  	[smem:$0x3FA2] =	sst s10  }
0x35: {  	s10 =	sld [smem:$0x3FA1];
	_ =	sdelay $0x3  }
0x36: {  	p1 =	seq.s32 s10, $0x1;
	s10 =	sld [smem:$0x3FA2];
	_ =	sdelay $0x3  }
0x37: {  	[smem:$0x3FA2] =	sst s10  }
0x38: {  	s10 =	sld [smem:$0x3FA3]  }
0x39: {  	_ = 	snop;
	(pc) =	sbr.ind lr, $3  }
0x3a: {  	_ = 	snop  }
0x3b: {  	_ = 	snop  }
0x3c: {  	p2 =	seq.s32 s10, $0x1;
	s10 =	sld [smem:$0x3FA2]  }
0x3d: {  	_ =	shalt  }
0x3e: {  	_ =	shalt  }
0x3f: {  	_ =	shalt  }
0x40: {  	_ =	shalt  }
0x41: {  	_ =	shalt  }
0x42: {  	_ =	shalt  }
0x43: {  	_ =	shalt  }
0x44: {  	_ =	shalt  }
0x45: {  	_ =	shalt  }
0x46: {  	_ =	shalt  }
0x47: {  	_ =	shalt  }
0x48: {  	_ =	shalt  }
0x49: {  	_ =	shalt  }
0x4a: {  	_ =	shalt  }
0x4b: {  	_ =	shalt  }
0x4c: {  	_ =	shalt  }
0x4d: {  	_ =	shalt  }
0x4e: {  	_ =	shalt  }
0x4f: {  	_ =	shalt  }
0x50: {  	_ =	shalt  }
0x51: {  	_ =	shalt  }
0x52: {  	_ =	shalt  }
0x53: {  	_ =	shalt  }
0x54: {  	_ =	shalt  }
0x55: {  	_ =	shalt  }
0x56: {  	_ =	shalt  }
0x57: {  	_ =	shalt  }
0x58: {  	_ =	shalt  }
0x59: {  	_ =	shalt  }
0x5a: {  	_ =	shalt  }
0x5b: {  	_ =	shalt  }
0x5c: {  	_ =	shalt  }
0x5d: {  	_ =	shalt  }
0x5e: {  	_ =	shalt  }
0x5f: {  	_ =	shalt  }
0x60: {  	_ =	shalt  }
0x61: {  	_ =	shalt  }
0x62: {  	_ =	shalt  }
0x63: {  	_ =	shalt  }
0x64: {  	_ =	shalt  }
0x65: {  	_ =	shalt  }
0x66: {  	_ =	shalt  }
0x67: {  	_ =	shalt  }
0x68: {  	_ =	shalt  }
0x69: {  	_ =	shalt  }
0x6a: {  	_ =	shalt  }
0x6b: {  	_ =	shalt  }
0x6c: {  	_ =	shalt  }
0x6d: {  	_ =	shalt  }
0x6e: {  	_ =	shalt  }
0x6f: {  	_ =	shalt  }
0x70: {  	_ =	shalt  }
0x71: {  	_ =	shalt  }
0x72: {  	_ =	shalt  }
0x73: {  	_ =	shalt  }
0x74: {  	_ =	shalt  }
0x75: {  	_ =	shalt  }
0x76: {  	_ =	shalt  }
0x77: {  	_ =	shalt  }
0x78: {  	_ =	shalt  }
0x79: {  	_ =	shalt  }
0x7a: {  	_ =	shalt  }
0x7b: {  	_ =	shalt  }
0x7c: {  	_ =	shalt  }
0x7d: {  	_ =	shalt  }
0x7e: {  	_ =	shalt  }
0x7f: {  	_ =	shalt  }
0x80: {  	_ =	shalt  }
0x81: {  	_ =	shalt  }
0x82: {  	_ =	shalt  }
0x83: {  	_ =	shalt  }
0x84: {  	_ =	shalt  }
0x85: {  	_ =	shalt  }
0x86: {  	_ =	shalt  }
0x87: {  	_ =	shalt  }
.Lfunc_end0:
.L_simem_size_0:
called_computation.1_lowered:
.L_overlay_start_0:
0x88: {  	s2 =	sld [smem:$0x3FD9]  }
0x89: {  	s3 =	sld [smem:$0x3FFE];
	_ =	sdelay $0x1  }
0x8a: {  	s1 =	srdreg.scid  }
0x8b: {  	s0 =	sand.u32 $0x1, s1  }
0x8c: {  	s16 =	sshll.u32 s0, $0xA;
	s2 =	sadd.s32 s3, s2  }
0x8d: {  	s2 =	sadd.s32 s2, s16  }
0x8e: {  	[smem:$0x3FAE] =	sst s2  }
0x8f: {  	_ = 	snop  }
0x90: {  	(tm) =	ssettm $0x1  }
0x91: {  	s17 =	sld [smem:$0x3FFB];
	_ =	sdelay $0x3  }
0x92: {  	_ =	strace s17  }
0x93: {  	s2 =	sld [smem:$0x3FFC];
	_ =	sdelay $0x3  }
0x94: {  	_ =	strace s2  }
0x95: {  	s2 =	sld [smem:$0x3FFD];
	_ =	sdelay $0x3  }
0x96: {  	_ =	strace s2  }
0x97: {  	_ =	strace $0x8FFFFFFF  }
0x98: {  	s18 =	sld [smem:$0x3FDB];
	_ =	sdelay $0x1  }
0x99: {  	s19 =	simm.s32 $_scs_section_size  }
0x9a: {  	s4 =	simm.s32 $_size__tile_overlayer_lowered;
	s5 =	simm.s32 $_tile_overlayer_lowered  }
0x9b: {  	s22 =	simm.s32 $0x1BFF;
	s21 =	sshll.u32 s5, $0x1;
	s2 =	sadd.s32 s19, s18  }
0x9c: {  	s6 =	simm.s32 $0x0;
	s20 =	sshll.u32 s4, $0x1;
	s4 =	sadd.s32 s21, s2  }
0x9d: {  	[timem:s6], [sflag:s22] =	dma.local [hbm:s4], s20  }
0x9e: {  	_ =	swait.ge [sflag:s22], s20  }
0x9f: {  	s3 =	ssub.s32 $0x0, s20;
	[sflag:s22] =	ssyncset.done $0x0  }
0xa0: {  	[sflag:s22] =	ssyncadd.s32 s3;
	_ =	sdelay $0x1  }
0xa1: {  	s23 =	simm.s32 $0x1B8B  }
0xa2: {  	_ =	swait.ge [sflag:s23], $0x1  }
0xa3: {  	[sflag:s23] =	ssyncset.done $0x0  }
0xa4: {  	s25 =	simm.s32 $0x1B8E;
	s24 =	sld [smem:$0x3FFE];
	[sflag:s23] =	ssyncadd.s32 $0xFFFFFFFF  }
0xa5: {  	s26 =	simm.s32 $execute0_lowered;
	[smem:$0x3FD2] =	sst s25  }
0xa6: {  	s4 =	sshll.u32 s26, $0x1;
	_ =	strace $0x80000049;
	[dreg:$0x1] =	wrdreg $0xFFFFFFFF  }
0xa7: {  	s28 =	simm.s32 $_size_execute0_lowered;
	s2 =	sadd.s32 s2, s4;
	[dreg:$0x0] =	wrdreg $0x0  }
0xa8: {  	s4 =	sshll.u32 s28, $0x1;
	[dreg:$0x2] =	wrdreg s2  }
0xa9: {  	[dreg:$0x3] =	wrdreg s4  }
0xaa: {  	[dreg:$0x4] =	wrdreg $0xC0  }
0xab: {  	_ =	task [dreg:s6], $0x5FFFF  }
0xac: {  	[dreg:$0x1] =	wrdreg $0xFFFFFFFF  }
0xad: {  	[dreg:$0x0] =	wrdreg $0x60  }
0xae: {  	[dreg:$0x2] =	wrdreg s24  }
0xaf: {  	[dreg:$0x3] =	wrdreg $0xE0000  }
0xb0: {  	[dreg:$0x4] =	wrdreg $0x9  }
0xb1: {  	_ =	task.clear_ibuf [dreg:s6], $0x5FFFF;
	_ =	strace $0x90000049  }
0xb2: {  	s29 =	simm.s32 $0x9;
	_ =	strace $0x8000004B  }
0xb3: {  	_ =	swait.ge [sflag:s29], $0x1  }
0xb4: {  	[sflag:s29] =	ssyncadd.s32 $0xFFFFFFFF  }
0xb5: {  	_ =	strace $0x9000004B  }
0xb6: {  	_ =	sfence  }
0xb7: {  	s30 =	sld [smem:$0x0];
	_ =	sdelay $0x2  }
0xb8: {  	s31 =	sshll.u32 s1, $0xD;
	s1 =	sshrl.u32 s1, $0x2  }
0xb9: {  	s3 =	sand.u32 $0x4000, s31;
	s1 =	sadd.s32 s1, s30  }
0xba: {  	s0 =	sor.u32 s3, s0;
	s1 =	sshll.u32 s1, $0x11  }
0xbb: {  	s0 =	sor.u32 s1, s0  }
0xbc: {  	s0 =	sadd.s32 $0x8F2B, s0  }
0xbd: {  	[sflag:s0] =	ssyncadd.remote.s32 $0x1  }
0xbe: {  	_ =	sfence.sel $0xFFFF  }
0xbf: {  	[dreg:$0x0] =	wrdreg $0xFFFFFFFF;
	(pc) =	sbr.abs _section_cstart, $3  }
0xc0: {  	[dreg:$0x1] =	wrdreg $0xFFFFFFFF  }
0xc1: {  	_ =	task.clear_ibuf [dreg:s6], $0x2FFFF;
	_ =	strace $0x9FFFFFFF  }
0xc2: {  	(tm) =	ssettm $0x7FFFFFFF  }
0xc3: {  	_ =	shalt  }
tec
execute0_lowered:
.L_overlay_start_1:
0x0: {  	(tag) =	ssettag $0x1  }
0x1: {  	s0 =	srdreg.scid;
	s7 =	rddreg [dreg:$0x0]  }
0x2: {  	s2 =	rddreg [dreg:$0x1];
	s3 =	simm.s32 $0x0;
	s14 =	simm.s32 $0x80  }
0x3: {  	s15 =	simm.s32 $0xA000;
	s16 =	simm.s32 $0xC000;
	s17 =	simm.s32 $0x1  }
0x4: {  	s18 =	simm.s32 $0x2;
	s19 =	simm.s32 $0x4F80;
	s6 =	sand.u32 $0x1, s0  }
0x5: {  	s20 =	simm.s32 $0x9F00;
	s0 =	stileid.u32;
	s8 =	smul.u32 $0x13880, s6  }
0x6: {  	s21 =	simm.s32 $0x9F80;
	s23 =	simm.s32 $0x0;
	s9 =	smul.u32 $0x1388, s0  }
0x7: {  	[smem:$0x7FF] =	sst s3;
	s1 =	sshll.u32 s6, $0x4;
	s28 =	smul.u32 $0x28000, s0  }
0x8: {  	s6 =	ssub.s32 $0x2, s6;
	s11 =	smul.u32 $0x27100, s0;
	s31 =	sshll.u32 s0, $0x6  }
0x9: {  	s4 =	sor.u32 s0, s1;
	s1 =	rddreg [dreg:$0x2];
	_ =	strace $0x8000004A  }
0xa: {  	s29 =	sshrl.u32 s6, $0x1;
	s5 =	smul.u32 $0xA00, s4;
	s4 =	sadd.s32 $0x7CA00, s7  }
0xb: {  	s8 =	sadd.s32 s9, s8;
	s12 =	ssub.s32 s6, s29;
	s9 =	sshrl.u32 s28, $0x2  }
0xc: {  	s30 =	sshrl.u32 s11, $0x2;
	s11 =	simm.s32 $0x5000;
	s8 =	sadd.s32 s8, s7  }
0xd: {  	s13 =	sadd.s32 s9, s2;
	s22 =	sadd.s32 s30, s2;
	s9 =	smax.u32 s12, $0x1  }
0xe: {  	s12 =	sor.u32 $0x1C03, s31;
	s10 =	sadd.s32 s5, s7;
	s5 =	sadd.s32 $0xA3C00, s7  }
0xf: {  	s8 =	sadd.s32 $0xA5000, s8;
	s13 =	sshrl.u32 s13, $0x3;
	s22 =	sshrl.u32 s22, $0x3  }
0x10: {  	s6 =	sadd.s32 $0x1A800, s10;
	s7 =	sadd.s32 $0x6800, s10;
	s10 =	simm.s32 $0x3  }
.LBB2_1:
0x11: {  	[tilespmem:s3], [sflag:$0x3] =	stream.linear.gather [hbm4b:s6+s3], $0x5000, $0x38;
	[tilespmem:$0x18000] =	vst v63  }
0x12: {  	_ =	swait.ge [sflag:s10], $0x5000  }
0x13: {  	[sflag:s10] =	ssyncset.done $0x0  }
0x14: {  	[sflag:s10] =	ssyncadd.s32 $0xFFFFB000  }
0x15: {  	[tilespmem:s11], [sflag:$0x3] =	stream.linear.gather [hbm4b:s7+s3], $0x5000, $0x38;
	[tilespmem:$0x18000] =	vst v63  }
0x16: {  	_ =	swait.ge [sflag:s10], $0x5000  }
0x17: {  	[sflag:s10] =	ssyncset.done $0x0  }
0x18: {  	[sflag:s10] =	ssyncadd.s32 $0xFFFFB000  }
0x19: {  	[spmem:s13], [sflag:s12] =	dma.local [hbm:s5], $0x1400  }
0x1a: {  	_ =	swait.ge [sflag:s10], $0x1400  }
0x1b: {  	[sflag:s10] =	ssyncset.done $0x0  }
0x1c: {  	[sflag:s10] =	ssyncadd.s32 $0xFFFFEC00  }
0x1d: {  	[bflag:$0x0] =	sbarrier.arrive $0xFFFF  }
0x1e: {  	[tilespmem:s15], [sflag:$0x1] =	stream.indirect.gather [hbm4b:s4+s14], $0x40, s3, s14, $0xb8;
	[tilespmem:$0x18000] =	vst v63  }
0x1f: {  	s24 =	simm.s32 $0x80  }
0x20: {  	[tilespmem:s16], [sflag:$0x2] =	stream.indirect.gather [hbm4b:s4+s14], $0x40, s24, s14, $0xb8;
	[tilespmem:$0x18000] =	vst v63  }
0x21: {  	_ =	swait.ge [sflag:s17], $0x2000  }
0x22: {  	[sflag:s17] =	ssyncset.done $0x0  }
0x23: {  	s29 =	simm.s32 $0x5000;
	[sflag:s17] =	ssyncadd.s32 $0xFFFFE000  }
0x24: {  	[spmem:s2] =	stream.indirect.scatter.add.s32 [tilespmem:s15], [sflag:$0x3], $0x40, s29, s14, $0xb8;
	[tilespmem:$0x18000] =	vst v63  }
0x25: {  	_ =	swait.ge [sflag:s10], $0x2000  }
0x26: {  	[sflag:s10] =	ssyncset.done $0x0  }
0x27: {  	s30 =	simm.s32 $0x100;
	[sflag:s10] =	ssyncadd.s32 $0xFFFFE000  }
0x28: {  	[tilespmem:s15], [sflag:$0x1] =	stream.indirect.gather [hbm4b:s4+s14], $0x40, s30, s14, $0xb8;
	[tilespmem:$0x18000] =	vst v63  }
0x29: {  	_ =	swait.ge [sflag:s18], $0x2000  }
0x2a: {  	[sflag:s18] =	ssyncset.done $0x0  }
0x2b: {  	s31 =	simm.s32 $0x5080;
	[sflag:s18] =	ssyncadd.s32 $0xFFFFE000  }
0x2c: {  	[spmem:s2] =	stream.indirect.scatter.add.s32 [tilespmem:s16], [sflag:$0x3], $0x40, s31, s14, $0xb8;
	[tilespmem:$0x18000] =	vst v63  }
0x2d: {  	_ =	swait.ge [sflag:s10], $0x2000  }
0x2e: {  	s25 =	simm.s32 $0x800;
	s24 =	simm.s32 $0x100;
	[sflag:s10] =	ssyncset.done $0x0  }
.LBB2_2:
0x2f: {  	s26 =	sadd.s32 $0x80, s24  }
0x30: {  	[sflag:s10] =	ssyncadd.s32 $0xFFFFE000;
	s28 =	smov.u32 s25;
	s29 =	sadd.s32 $0x400, s25  }
0x31: {  	[tilespmem:s16], [sflag:$0x2] =	stream.indirect.gather [hbm4b:s4+s14], $0x40, s26, s14, $0xb8;
	[tilespmem:$0x18000] =	vst v63  }
0x32: {  	p0 =	sne.s32 s25, $0x13800;
	_ =	swait.ge [sflag:s17], $0x2000  }
0x33: {  	[sflag:s17] =	ssyncset.done $0x0  }
0x34: {  	s25 =	sadd.s32 $0x5000, s24;
	[sflag:s17] =	ssyncadd.s32 $0xFFFFE000  }
0x35: {  	[spmem:s2] =	stream.indirect.scatter.add.s32 [tilespmem:s15], [sflag:$0x3], $0x40, s25, s14, $0xb8;
	[tilespmem:$0x18000] =	vst v63  }
0x36: {  	_ =	swait.ge [sflag:s10], $0x2000  }
0x37: {  	[sflag:s10] =	ssyncset.done $0x0  }
0x38: {  	s25 =	sadd.s32 $0x100, s24;
	[sflag:s10] =	ssyncadd.s32 $0xFFFFE000  }
0x39: {  	[tilespmem:s15], [sflag:$0x1] =	stream.indirect.gather [hbm4b:s4+s14], $0x40, s25, s14, $0xb8;
	[tilespmem:$0x18000] =	vst v63  }
0x3a: {  	_ =	swait.ge [sflag:s18], $0x2000  }
.Ltmp0:
0x3b: {  	[sflag:s18] =	ssyncset.done $0x0;
	(pc) =	sbr.rel @p0 .LBB2_2-.Ltmp0, $4  }
0x3c: {  	s24 =	sadd.s32 $0x5080, s24;
	[sflag:s18] =	ssyncadd.s32 $0xFFFFE000  }
0x3d: {  	[spmem:s2] =	stream.indirect.scatter.add.s32 [tilespmem:s16], [sflag:$0x3], $0x40, s24, s14, $0xb8;
	[tilespmem:$0x18000] =	vst v63  }
0x3e: {  	_ =	swait.ge [sflag:s10], $0x2000  }
0x3f: {  	s25 =	smov.u32 s29;
	s24 =	sshra.s32 s28, $0x2;
	[sflag:s10] =	ssyncset.done $0x0  }
0x40: {  	s25 =	sadd.s32 $0x80, s24;
	[sflag:s10] =	ssyncadd.s32 $0xFFFFE000  }
0x41: {  	[tilespmem:s16], [sflag:$0x2] =	stream.indirect.gather [hbm4b:s4+s14], $0x40, s25, s14, $0xb8;
	[tilespmem:$0x18000] =	vst v63  }
0x42: {  	_ =	swait.ge [sflag:s17], $0x2000  }
0x43: {  	[sflag:s17] =	ssyncset.done $0x0  }
0x44: {  	s29 =	sadd.s32 $0x5000, s24;
	[sflag:s17] =	ssyncadd.s32 $0xFFFFE000  }
0x45: {  	[spmem:s2] =	stream.indirect.scatter.add.s32 [tilespmem:s15], [sflag:$0x3], $0x40, s29, s14, $0xb8;
	[tilespmem:$0x18000] =	vst v63  }
0x46: {  	_ =	swait.ge [sflag:s10], $0x2000  }
0x47: {  	[sflag:s10] =	ssyncset.done $0x0  }
0x48: {  	s30 =	sadd.s32 $0x100, s24;
	[sflag:s10] =	ssyncadd.s32 $0xFFFFE000  }
0x49: {  	[tilespmem:s15], [sflag:$0x1] =	stream.indirect.gather [hbm4b:s4+s14], $0x40, s30, s14, $0xb8;
	[tilespmem:$0x18000] =	vst v63  }
0x4a: {  	_ =	swait.ge [sflag:s18], $0x2000  }
0x4b: {  	[sflag:s18] =	ssyncset.done $0x0  }
0x4c: {  	s31 =	sadd.s32 $0x5080, s24;
	[sflag:s18] =	ssyncadd.s32 $0xFFFFE000  }
0x4d: {  	[spmem:s2] =	stream.indirect.scatter.add.s32 [tilespmem:s16], [sflag:$0x3], $0x40, s31, s14, $0xb8;
	[tilespmem:$0x18000] =	vst v63  }
0x4e: {  	_ =	swait.ge [sflag:s10], $0x2000  }
0x4f: {  	[sflag:s10] =	ssyncset.done $0x0  }
0x50: {  	[sflag:s10] =	ssyncadd.s32 $0xFFFFE000  }
0x51: {  	[tilespmem:s16], [sflag:$0x2] =	stream.indirect.gather [hbm4b:s4+s14], $0x40, s19, s14, $0xb8;
	[tilespmem:$0x18000] =	vst v63  }
0x52: {  	_ =	swait.ge [sflag:s17], $0x2000  }
0x53: {  	[sflag:s17] =	ssyncset.done $0x0  }
0x54: {  	[sflag:s17] =	ssyncadd.s32 $0xFFFFE000  }
0x55: {  	[spmem:s2] =	stream.indirect.scatter.add.s32 [tilespmem:s15], [sflag:$0x3], $0x40, s20, s14, $0xb8;
	[tilespmem:$0x18000] =	vst v63  }
0x56: {  	_ =	swait.ge [sflag:s10], $0x2000  }
0x57: {  	[sflag:s10] =	ssyncset.done $0x0  }
0x58: {  	[sflag:s10] =	ssyncadd.s32 $0xFFFFE000  }
0x59: {  	_ =	swait.ge [sflag:s18], $0x2000  }
0x5a: {  	[sflag:s18] =	ssyncset.done $0x0  }
0x5b: {  	[sflag:s18] =	ssyncadd.s32 $0xFFFFE000  }
0x5c: {  	[spmem:s2] =	stream.indirect.scatter.add.s32 [tilespmem:s16], [sflag:$0x3], $0x40, s21, s14, $0xb8;
	[tilespmem:$0x18000] =	vst v63  }
0x5d: {  	_ =	swait.ge [sflag:s10], $0x2000  }
0x5e: {  	s23 =	sadd.s32 $0x1, s23;
	[sflag:s10] =	ssyncset.done $0x0  }
0x5f: {  	p0 =	sne.s32 s23, s9;
	[sflag:s10] =	ssyncadd.s32 $0xFFFFE000  }
.Ltmp1:
0x60: {  	[bflag:$0x0] =	sbarrier.arrive $0xFFFF;
	(pc) =	sbr.rel @p0 .LBB2_1-.Ltmp1, $4  }
0x61: {  	[hbm:s8], [sflag:s12] =	dma.local [spmem:s22], $0x1388  }
0x62: {  	_ =	swait.ge [sflag:s10], $0x1388  }
0x63: {  	[sflag:s10] =	ssyncset.done $0x0  }
0x64: {  	[sflag:s10] =	ssyncadd.s32 $0xFFFFEC78  }
0x65: {  	_ =	sfence.sel $0x180000  }
0x66: {  	[bflag:$0x0] =	sbarrier.arrive $0xFFFF  }
0x67: {  	p0 =	sne.s32 s0, $0x0;
	_ =	strace $0x9000004A  }
0x68: {  	s0 =	sadd.s32 @!p0 $0x100000, s1;
	[bflag:$0x2] =	sbarrier.arrive $0xFFFF  }
0x69: {  	[sflag:s0] =	ssyncadd.tile.s32 @!p0 $0x1;
	_ =	shalt  }
.Lfunc_end2:
_tile_overlayer_lowered:
.L_overlay_start_2:
0x6a: {  	(tag) =	ssettag $0x2  }
0x6b: {  	s0 =	rddreg [dreg:$0x0];
	s2 =	stileid.u32  }
0x6c: {  	s1 =	rddreg [dreg:$0x1];
	p0 =	sne.s32 s2, $0x0  }
0x6d: {  	s3 =	rddreg [dreg:$0x2];
	[bflag:$0x3] =	sbarrier.arrive $0xFFFF;
	s2 =	simm.s32 @!p0 $0x1C03  }
0x6e: {  	[timem:s3], [sflag:s2] =	dma.local @!p0 [hbm:s0], s1  }
0x6f: {  	s0 =	simm.s32 @!p0 $0x3  }
0x70: {  	_ =	swait.ge @!p0 [sflag:s0], s1  }
0x71: {  	s1 =	ssub.s32 @!p0 $0x0, s1;
	[sflag:s0] =	ssyncset.done @!p0 $0x0  }
0x72: {  	[sflag:s0] =	ssyncadd.s32 @!p0 s1  }
0x73: {  	[bflag:$0x3] =	sbarrier.arrive $0xFFFF  }
0x74: {  	_ =	shalt  }

</sc_bundles>
